<compile_context>
chip_gen: v7x
topology: tpu7x:2x2x1
jax: 0.10.2.dev20260603
libtpu: 0.0.44.dev20260713+nightly
codegen_flags: <defaults>
</compile_context>

<pallas_src>
import functools

import jax
import jax.numpy as jnp
from jax import lax
from jax.experimental import pallas as pl
from jax.experimental.pallas import tpu as pltpu
from jax.experimental.pallas import tpu_sc as plsc

N = 1024
F_IN = 128
F = 64

_NC = 2
_NS = 16
_NW = _NC * _NS
_L = 16
_ROWS_PER_TILE = N // _NW


def _prep_body(x_ref, w_ref, b_ref, awt_ref, h_ref, s2_ref):
    h = jnp.dot(x_ref[...], w_ref[...], preferred_element_type=jnp.float32)
    h = h + b_ref[...]
    h_ref[...] = h
    a2_row = awt_ref[:, F : 2 * F]
    s2_ref[...] = jnp.dot(
        a2_row, jnp.transpose(h), preferred_element_type=jnp.float32
    )


_tc_prep = pl.pallas_call(
    _prep_body,
    out_shape=[
        jax.ShapeDtypeStruct((N, F), jnp.float32),
        jax.ShapeDtypeStruct((1, N), jnp.float32),
    ],
)


_sc_mesh = plsc.VectorSubcoreMesh(core_axis_name="c", subcore_axis_name="s")


@functools.partial(
    pl.kernel,
    mesh=_sc_mesh,
    out_type=jax.ShapeDtypeStruct((N, N), jnp.float32),
    compiler_params=pltpu.CompilerParams(needs_layout_passes=False),
    scratch_types=[
        pltpu.VMEM((_ROWS_PER_TILE, N), jnp.int32),
        pltpu.VMEM((_ROWS_PER_TILE, N), jnp.float32),
        pltpu.VMEM((N,), jnp.float32),
        pltpu.SemaphoreType.DMA,
        pltpu.SemaphoreType.DMA,
    ],
)
def _sc_gather(adj_hbm, s2_hbm, out_hbm, adj_v, g_v, s2_v, in_sem, out_sem):
    wid = lax.axis_index("s") * _NC + lax.axis_index("c")
    base = wid * _ROWS_PER_TILE
    nbuf = 4
    q = _ROWS_PER_TILE // nbuf
    pltpu.sync_copy(s2_hbm.at[0], s2_v)

    in_cps = [
        pltpu.async_copy(
            adj_hbm.at[pl.ds(base + b * q, q)], adj_v.at[pl.ds(b * q, q)], in_sem
        )
        for b in range(nbuf)
    ]

    def _gather_rows(r0):
        def _row(r, carry):
            @plsc.parallel_loop(0, N, _L, unroll=8)
            def _col(j):
                idx = adj_v[r, pl.ds(j, _L)]
                g_v[r, pl.ds(j, _L)] = plsc.load_gather(s2_v, [idx])

            return carry

        lax.fori_loop(r0, r0 + q, _row, 0)

    out_cps = []
    for b in range(nbuf):
        in_cps[b].wait()
        _gather_rows(b * q)
        out_cps.append(
            pltpu.async_copy(
                g_v.at[pl.ds(b * q, q)], out_hbm.at[pl.ds(base + b * q, q)], out_sem
            )
        )
    for cp in out_cps:
        cp.wait()


_BLK = 512


def _attn_body(g_ref, hr_ref, hf_ref, aw_ref, ab_ref, o_ref):
    a1 = aw_ref[0:F, :]
    s1 = jnp.dot(hr_ref[...], a1, preferred_element_type=jnp.float32)
    e = g_ref[...] + s1 + ab_ref[...]
    e = jnp.where(e >= 0.0, e, 0.2 * e)
    m = jnp.max(e, axis=1, keepdims=True)
    p = jnp.exp(e - m)
    s = jnp.sum(p, axis=1, keepdims=True)
    acc = jnp.dot(p / s, hf_ref[...], preferred_element_type=jnp.float32)
    o_ref[...] = jnp.transpose(acc)


_tc_attn = pl.pallas_call(
    _attn_body,
    grid=(N // _BLK,),
    in_specs=[
        pl.BlockSpec((_BLK, N), lambda i: (i, 0)),
        pl.BlockSpec((_BLK, F), lambda i: (i, 0)),
        pl.BlockSpec((N, F), lambda i: (0, 0)),
        pl.BlockSpec((2 * F, 1), lambda i: (0, 0)),
        pl.BlockSpec((1, 1), lambda i: (0, 0)),
    ],
    out_specs=pl.BlockSpec((F, _BLK), lambda i: (0, i)),
    out_shape=jax.ShapeDtypeStruct((F, N), jnp.float32),
)


def kernel(X, adj, W_w, W_b, a_w, a_b):
    adj32 = adj.astype(jnp.int32)
    h, s2_row = _tc_prep(X, W_w, W_b.reshape(1, F), a_w.reshape(1, 2 * F))
    g = _sc_gather(adj32, s2_row)
    out_t = _tc_attn(g, h, h, a_w, a_b.reshape(1, 1))
    return out_t.T

# --- scband reference (transcript-rebuilt; emitter-appended) ---
"""Pipeline reference for scband-graph-attention-layer-21646635172724 (READ-ONLY COPY).

The authoritative reference and input builder live on the scoring server;
editing this copy changes nothing except your own understanding.
"""

import jax, jax.numpy as jnp
import numpy as np

N = 1024
IN_FEATURES = 128
OUT_FEATURES = 64


def setup_inputs(seed: int = 0) -> dict:
    key = jax.random.key(seed)
    k_x, k_adj, k_w, k_a = jax.random.split(key, 4)
    X = jax.random.normal(k_x, (N, IN_FEATURES), dtype=jnp.float32)
    adj = jax.random.randint(k_adj, (N, N), 0, N, dtype=jnp.int64)
    # nn.Linear(in_features, out_features): weight [out, in], bias [out]; stored transposed for x @ W
    W_w = jax.random.normal(k_w, (IN_FEATURES, OUT_FEATURES), dtype=jnp.float32) * 0.05
    W_b = jnp.zeros((OUT_FEATURES,), dtype=jnp.float32)
    # nn.Linear(2*out_features, 1)
    a_w = jax.random.normal(k_a, (2 * OUT_FEATURES, 1), dtype=jnp.float32) * 0.05
    a_b = jnp.zeros((1,), dtype=jnp.float32)
    return {"X": X, "adj": adj, "W_w": W_w, "W_b": W_b, "a_w": a_w, "a_b": a_b}


def reference(X, adj, W_w, W_b, a_w, a_b):
    # h = self.W(X)
    h = X @ W_w + W_b                      # [N, F]
    n = h.shape[0]
    k = adj.shape[1]
    f = h.shape[1]
    # h.repeat(1, adj.size(1), 1): broadcast each node's own feature across its K slots
    h_rep = jnp.broadcast_to(h[:, None, :], (n, k, f))   # [N, K, F]
    # h[adj]: gather neighbor features
    h_gath = jnp.take(h, adj, axis=0)                     # [N, K, F]
    a_input = jnp.concatenate([h_rep, h_gath], axis=2)    # [N, K, 2F]
    # e = leaky_relu(self.a(a_input).squeeze(2), 0.2)
    e = jax.nn.leaky_relu((a_input @ a_w + a_b)[..., 0], negative_slope=0.2)  # [N, K]
    # attention = softmax(e, dim=1)
    attention = jax.nn.softmax(e, axis=1)                 # [N, K]
    # h_prime = matmul(attention.unsqueeze(1), h).squeeze(1)  (K == N)
    h_prime = jnp.matmul(attention[:, None, :], h)[:, 0, :]  # [N, F]
    return h_prime

if __name__ == "__main__":
    import jax
    _d = setup_inputs()
    print(jax.jit(kernel)(*tuple(_d.values())))

</pallas_src>

<mosaic_0001>
#map = affine_map<(d0, d1) -> (0, 0)>
module attributes {stable_mosaic.version = 14 : i64} {
  func.func @_sc_gather(%arg0: i32, %arg1: i32, %arg2: memref<1024x1024xi32, #tpu.memory_space<hbm>>, %arg3: memref<1x1024xf32, #tpu.memory_space<hbm>>, %arg4: memref<1024x1024xf32, #tpu.memory_space<hbm>>, %arg5: memref<32x1024xi32, #tpu.memory_space<vmem>>, %arg6: memref<32x1024xf32, #tpu.memory_space<vmem>>, %arg7: memref<1024xf32, #tpu.memory_space<vmem>>, %arg8: memref<!tpu.dma_semaphore, #tpu.memory_space<semaphore_mem>>, %arg9: memref<!tpu.dma_semaphore, #tpu.memory_space<semaphore_mem>>) attributes {dimension_semantics = [#tpu.dimension_semantics<core_parallel>, #tpu.dimension_semantics<subcore_parallel>], iteration_bounds = array<i64: 2, 16>, scalar_prefetch = 0 : i64, scratch_operands = 5 : i64, tpu.core_type = #tpu.core_type<sc_vector_subcore>, window_params = [{transform_indices = #map}, {transform_indices = #map}, {transform_indices = #map}]} {
    %mul3A = arith.constant 2 : i32
    %mul3A_0 = arith.muli %arg1, %mul3A : i32
    %add3A = arith.addi %mul3A_0, %arg0 : i32
    %mul3A_1 = arith.constant 32 : i32
    %mul3A_2 = arith.muli %add3A, %mul3A_1 : i32
    %run_scoped3A = arith.constant 0 : i32
    "tpu.region"() ({
      %run_scoped3A_200 = tpu.sem_alloc : memref<!tpu.dma_semaphore, #tpu.memory_space<semaphore_mem>>
      %dma_start3A_201 = arith.constant 0 : i32
      %dma_start3A_202 = tpu.memref_slice %arg3[%run_scoped3A, %dma_start3A_201] : memref<1x1024xf32, #tpu.memory_space<hbm>> -> memref<1x1024xf32, #tpu.memory_space<hbm>>
      %dma_start3A_203 = tpu.memref_squeeze %dma_start3A_202 : memref<1x1024xf32, #tpu.memory_space<hbm>> -> memref<1024xf32, #tpu.memory_space<hbm>>
      %dma_start3A_204 = arith.constant 0 : i32
      %dma_start3A_205 = tpu.memref_slice %arg3[%run_scoped3A, %dma_start3A_204] : memref<1x1024xf32, #tpu.memory_space<hbm>> -> memref<1x1024xf32, #tpu.memory_space<hbm>>
      %dma_start3A_206 = tpu.memref_squeeze %dma_start3A_205 : memref<1x1024xf32, #tpu.memory_space<hbm>> -> memref<1024xf32, #tpu.memory_space<hbm>>
      tpu.enqueue_dma source(%dma_start3A_206 : memref<1024xf32, #tpu.memory_space<hbm>>) target(%arg7 : memref<1024xf32, #tpu.memory_space<vmem>>) target_semaphore(%run_scoped3A_200 : memref<!tpu.dma_semaphore, #tpu.memory_space<semaphore_mem>>)
      %dma_wait3A_207 = arith.constant 0 : i32
      %dma_wait3A_208 = tpu.memref_slice %arg3[%run_scoped3A, %dma_wait3A_207] : memref<1x1024xf32, #tpu.memory_space<hbm>> -> memref<1x1024xf32, #tpu.memory_space<hbm>>
      %dma_wait3A_209 = tpu.memref_squeeze %dma_wait3A_208 : memref<1x1024xf32, #tpu.memory_space<hbm>> -> memref<1024xf32, #tpu.memory_space<hbm>>
      %dma_wait3A_210 = arith.constant 0 : i32
      %dma_wait3A_211 = tpu.memref_slice %arg3[%run_scoped3A, %dma_wait3A_210] : memref<1x1024xf32, #tpu.memory_space<hbm>> -> memref<1x1024xf32, #tpu.memory_space<hbm>>
      %dma_wait3A_212 = tpu.memref_squeeze %dma_wait3A_211 : memref<1x1024xf32, #tpu.memory_space<hbm>> -> memref<1024xf32, #tpu.memory_space<hbm>>
      tpu.wait_dma2 semaphore(%run_scoped3A_200 : memref<!tpu.dma_semaphore, #tpu.memory_space<semaphore_mem>>) src(%dma_wait3A_212 : memref<1024xf32, #tpu.memory_space<hbm>>) dst(%arg7 : memref<1024xf32, #tpu.memory_space<vmem>>)
      tpu.yield
    }) : () -> ()
    %add3A_3 = arith.constant 0 : i32
    %add3A_4 = arith.addi %mul3A_2, %add3A_3 : i32
    %dma_start3A = arith.constant 0 : i32
    %dma_start3A_5 = arith.constant 0 : i32
    %dma_start3A_6 = tpu.memref_slice %arg5[%dma_start3A, %dma_start3A_5] : memref<32x1024xi32, #tpu.memory_space<vmem>> -> memref<8x1024xi32, #tpu.memory_space<vmem>>
    %dma_start3A_7 = arith.constant 0 : i32
    %dma_start3A_8 = tpu.memref_slice %arg2[%add3A_4, %dma_start3A_7] : memref<1024x1024xi32, #tpu.memory_space<hbm>> -> memref<8x1024xi32, #tpu.memory_space<hbm>>
    %dma_start3A_9 = arith.constant 0 : i32
    %dma_start3A_10 = arith.constant 0 : i32
    %dma_start3A_11 = tpu.memref_slice %arg5[%dma_start3A_9, %dma_start3A_10] : memref<32x1024xi32, #tpu.memory_space<vmem>> -> memref<8x1024xi32, #tpu.memory_space<vmem>>
    %dma_start3A_12 = arith.constant 0 : i32
    %dma_start3A_13 = tpu.memref_slice %arg2[%add3A_4, %dma_start3A_12] : memref<1024x1024xi32, #tpu.memory_space<hbm>> -> memref<8x1024xi32, #tpu.memory_space<hbm>>
    tpu.enqueue_dma source(%dma_start3A_13 : memref<8x1024xi32, #tpu.memory_space<hbm>>) target(%dma_start3A_11 : memref<8x1024xi32, #tpu.memory_space<vmem>>) target_semaphore(%arg8 : memref<!tpu.dma_semaphore, #tpu.memory_space<semaphore_mem>>)
    %add3A_14 = arith.constant 8 : i32
    %add3A_15 = arith.addi %mul3A_2, %add3A_14 : i32
    %dma_start3A_16 = arith.constant 8 : i32
    %dma_start3A_17 = arith.constant 0 : i32
    %dma_start3A_18 = tpu.memref_slice %arg5[%dma_start3A_16, %dma_start3A_17] : memref<32x1024xi32, #tpu.memory_space<vmem>> -> memref<8x1024xi32, #tpu.memory_space<vmem>>
    %dma_start3A_19 = arith.constant 0 : i32
    %dma_start3A_20 = tpu.memref_slice %arg2[%add3A_15, %dma_start3A_19] : memref<1024x1024xi32, #tpu.memory_space<hbm>> -> memref<8x1024xi32, #tpu.memory_space<hbm>>
    %dma_start3A_21 = arith.constant 8 : i32
    %dma_start3A_22 = arith.constant 0 : i32
    %dma_start3A_23 = tpu.memref_slice %arg5[%dma_start3A_21, %dma_start3A_22] : memref<32x1024xi32, #tpu.memory_space<vmem>> -> memref<8x1024xi32, #tpu.memory_space<vmem>>
    %dma_start3A_24 = arith.constant 0 : i32
    %dma_start3A_25 = tpu.memref_slice %arg2[%add3A_15, %dma_start3A_24] : memref<1024x1024xi32, #tpu.memory_space<hbm>> -> memref<8x1024xi32, #tpu.memory_space<hbm>>
    tpu.enqueue_dma source(%dma_start3A_25 : memref<8x1024xi32, #tpu.memory_space<hbm>>) target(%dma_start3A_23 : memref<8x1024xi32, #tpu.memory_space<vmem>>) target_semaphore(%arg8 : memref<!tpu.dma_semaphore, #tpu.memory_space<semaphore_mem>>)
    %add3A_26 = arith.constant 16 : i32
    %add3A_27 = arith.addi %mul3A_2, %add3A_26 : i32
    %dma_start3A_28 = arith.constant 16 : i32
    %dma_start3A_29 = arith.constant 0 : i32
    %dma_start3A_30 = tpu.memref_slice %arg5[%dma_start3A_28, %dma_start3A_29] : memref<32x1024xi32, #tpu.memory_space<vmem>> -> memref<8x1024xi32, #tpu.memory_space<vmem>>
    %dma_start3A_31 = arith.constant 0 : i32
    %dma_start3A_32 = tpu.memref_slice %arg2[%add3A_27, %dma_start3A_31] : memref<1024x1024xi32, #tpu.memory_space<hbm>> -> memref<8x1024xi32, #tpu.memory_space<hbm>>
    %dma_start3A_33 = arith.constant 16 : i32
    %dma_start3A_34 = arith.constant 0 : i32
    %dma_start3A_35 = tpu.memref_slice %arg5[%dma_start3A_33, %dma_start3A_34] : memref<32x1024xi32, #tpu.memory_space<vmem>> -> memref<8x1024xi32, #tpu.memory_space<vmem>>
    %dma_start3A_36 = arith.constant 0 : i32
    %dma_start3A_37 = tpu.memref_slice %arg2[%add3A_27, %dma_start3A_36] : memref<1024x1024xi32, #tpu.memory_space<hbm>> -> memref<8x1024xi32, #tpu.memory_space<hbm>>
    tpu.enqueue_dma source(%dma_start3A_37 : memref<8x1024xi32, #tpu.memory_space<hbm>>) target(%dma_start3A_35 : memref<8x1024xi32, #tpu.memory_space<vmem>>) target_semaphore(%arg8 : memref<!tpu.dma_semaphore, #tpu.memory_space<semaphore_mem>>)
    %add3A_38 = arith.constant 24 : i32
    %add3A_39 = arith.addi %mul3A_2, %add3A_38 : i32
    %dma_start3A_40 = arith.constant 24 : i32
    %dma_start3A_41 = arith.constant 0 : i32
    %dma_start3A_42 = tpu.memref_slice %arg5[%dma_start3A_40, %dma_start3A_41] : memref<32x1024xi32, #tpu.memory_space<vmem>> -> memref<8x1024xi32, #tpu.memory_space<vmem>>
    %dma_start3A_43 = arith.constant 0 : i32
    %dma_start3A_44 = tpu.memref_slice %arg2[%add3A_39, %dma_start3A_43] : memref<1024x1024xi32, #tpu.memory_space<hbm>> -> memref<8x1024xi32, #tpu.memory_space<hbm>>
    %dma_start3A_45 = arith.constant 24 : i32
    %dma_start3A_46 = arith.constant 0 : i32
    %dma_start3A_47 = tpu.memref_slice %arg5[%dma_start3A_45, %dma_start3A_46] : memref<32x1024xi32, #tpu.memory_space<vmem>> -> memref<8x1024xi32, #tpu.memory_space<vmem>>
    %dma_start3A_48 = arith.constant 0 : i32
    %dma_start3A_49 = tpu.memref_slice %arg2[%add3A_39, %dma_start3A_48] : memref<1024x1024xi32, #tpu.memory_space<hbm>> -> memref<8x1024xi32, #tpu.memory_space<hbm>>
    tpu.enqueue_dma source(%dma_start3A_49 : memref<8x1024xi32, #tpu.memory_space<hbm>>) target(%dma_start3A_47 : memref<8x1024xi32, #tpu.memory_space<vmem>>) target_semaphore(%arg8 : memref<!tpu.dma_semaphore, #tpu.memory_space<semaphore_mem>>)
    %dma_wait3A = arith.constant 0 : i32
    %dma_wait3A_50 = arith.constant 0 : i32
    %dma_wait3A_51 = tpu.memref_slice %arg5[%dma_wait3A, %dma_wait3A_50] : memref<32x1024xi32, #tpu.memory_space<vmem>> -> memref<8x1024xi32, #tpu.memory_space<vmem>>
    %dma_wait3A_52 = arith.constant 0 : i32
    %dma_wait3A_53 = tpu.memref_slice %arg2[%add3A_4, %dma_wait3A_52] : memref<1024x1024xi32, #tpu.memory_space<hbm>> -> memref<8x1024xi32, #tpu.memory_space<hbm>>
    %dma_wait3A_54 = arith.constant 0 : i32
    %dma_wait3A_55 = arith.constant 0 : i32
    %dma_wait3A_56 = tpu.memref_slice %arg5[%dma_wait3A_54, %dma_wait3A_55] : memref<32x1024xi32, #tpu.memory_space<vmem>> -> memref<8x1024xi32, #tpu.memory_space<vmem>>
    %dma_wait3A_57 = arith.constant 0 : i32
    %dma_wait3A_58 = tpu.memref_slice %arg2[%add3A_4, %dma_wait3A_57] : memref<1024x1024xi32, #tpu.memory_space<hbm>> -> memref<8x1024xi32, #tpu.memory_space<hbm>>
    tpu.wait_dma2 semaphore(%arg8 : memref<!tpu.dma_semaphore, #tpu.memory_space<semaphore_mem>>) src(%dma_wait3A_58 : memref<8x1024xi32, #tpu.memory_space<hbm>>) dst(%dma_wait3A_56 : memref<8x1024xi32, #tpu.memory_space<vmem>>)
    %scan3A = arith.constant 0 : i32
    %scan3A_59 = arith.constant 0 : i32
    %scan3A_60 = arith.constant 8 : i32
    %scan3A_61 = arith.addi %scan3A_59, %scan3A_60 : i32
    %scan3A_62 = arith.constant 1 : i32
    scf.for %scan3A_200 = %scan3A_59 to %scan3A_61 step %scan3A_62  : i32 {
      %parallel_loop3A = arith.constant 0 : i32
      %parallel_loop3A_201 = arith.constant 1024 : i32
      %parallel_loop3A_202 = arith.constant 16 : i32
      scf.for %parallel_loop3A_203 = %parallel_loop3A to %parallel_loop3A_201 step %parallel_loop3A_202  : i32 {
        %parallel_loop3A_204 = arith.index_cast %scan3A_200 : i32 to index
        %parallel_loop3A_205 = arith.index_cast %parallel_loop3A_203 : i32 to index
        %parallel_loop3A_206 = tpu.vector_load %arg5[%parallel_loop3A_204, %parallel_loop3A_205] {strides = array<i32>} : memref<32x1024xi32, #tpu.memory_space<vmem>>, vector<16xi32>,
        %parallel_loop3A_207 = tpu.vector_load_idx %arg7[%parallel_loop3A_206] : memref<1024xf32, #tpu.memory_space<vmem>>[vector<16xi32>], vector<16xf32>,
        %parallel_loop3A_208 = arith.index_cast %scan3A_200 : i32 to index
        %parallel_loop3A_209 = arith.index_cast %parallel_loop3A_203 : i32 to index
        %parallel_loop3A_210 = tpu.vector_load %arg6[%parallel_loop3A_208, %parallel_loop3A_209] {strides = array<i32>} : memref<32x1024xf32, #tpu.memory_space<vmem>>, vector<16xf32>,
        tpu.vector_store %arg6[%parallel_loop3A_208, %parallel_loop3A_209], %parallel_loop3A_207 {strides = array<i32>} : memref<32x1024xf32, #tpu.memory_space<vmem>>, vector<16xf32>,
      } {sc.loop_unroll_factor = 8 : i64, sc.parallel_access}
    }
    %scan3A_63 = arith.constant 8 : i32
    %add3A_64 = arith.constant 0 : i32
    %add3A_65 = arith.addi %mul3A_2, %add3A_64 : i32
    %dma_start3A_66 = arith.constant 0 : i32
    %dma_start3A_67 = arith.constant 0 : i32
    %dma_start3A_68 = tpu.memref_slice %arg6[%dma_start3A_66, %dma_start3A_67] : memref<32x1024xf32, #tpu.memory_space<vmem>> -> memref<8x1024xf32, #tpu.memory_space<vmem>>
    %dma_start3A_69 = arith.constant 0 : i32
    %dma_start3A_70 = tpu.memref_slice %arg4[%add3A_65, %dma_start3A_69] : memref<1024x1024xf32, #tpu.memory_space<hbm>> -> memref<8x1024xf32, #tpu.memory_space<hbm>>
    %dma_start3A_71 = arith.constant 0 : i32
    %dma_start3A_72 = tpu.memref_slice %arg4[%add3A_65, %dma_start3A_71] : memref<1024x1024xf32, #tpu.memory_space<hbm>> -> memref<8x1024xf32, #tpu.memory_space<hbm>>
    %dma_start3A_73 = arith.constant 0 : i32
    %dma_start3A_74 = arith.constant 0 : i32
    %dma_start3A_75 = tpu.memref_slice %arg6[%dma_start3A_73, %dma_start3A_74] : memref<32x1024xf32, #tpu.memory_space<vmem>> -> memref<8x1024xf32, #tpu.memory_space<vmem>>
    tpu.enqueue_dma source(%dma_start3A_75 : memref<8x1024xf32, #tpu.memory_space<vmem>>) target(%dma_start3A_72 : memref<8x1024xf32, #tpu.memory_space<hbm>>) target_semaphore(%arg9 : memref<!tpu.dma_semaphore, #tpu.memory_space<semaphore_mem>>)
    %dma_wait3A_76 = arith.constant 8 : i32
    %dma_wait3A_77 = arith.constant 0 : i32
    %dma_wait3A_78 = tpu.memref_slice %arg5[%dma_wait3A_76, %dma_wait3A_77] : memref<32x1024xi32, #tpu.memory_space<vmem>> -> memref<8x1024xi32, #tpu.memory_space<vmem>>
    %dma_wait3A_79 = arith.constant 0 : i32
    %dma_wait3A_80 = tpu.memref_slice %arg2[%add3A_15, %dma_wait3A_79] : memref<1024x1024xi32, #tpu.memory_space<hbm>> -> memref<8x1024xi32, #tpu.memory_space<hbm>>
    %dma_wait3A_81 = arith.constant 8 : i32
    %dma_wait3A_82 = arith.constant 0 : i32
    %dma_wait3A_83 = tpu.memref_slice %arg5[%dma_wait3A_81, %dma_wait3A_82] : memref<32x1024xi32, #tpu.memory_space<vmem>> -> memref<8x1024xi32, #tpu.memory_space<vmem>>
    %dma_wait3A_84 = arith.constant 0 : i32
    %dma_wait3A_85 = tpu.memref_slice %arg2[%add3A_15, %dma_wait3A_84] : memref<1024x1024xi32, #tpu.memory_space<hbm>> -> memref<8x1024xi32, #tpu.memory_space<hbm>>
    tpu.wait_dma2 semaphore(%arg8 : memref<!tpu.dma_semaphore, #tpu.memory_space<semaphore_mem>>) src(%dma_wait3A_85 : memref<8x1024xi32, #tpu.memory_space<hbm>>) dst(%dma_wait3A_83 : memref<8x1024xi32, #tpu.memory_space<vmem>>)
    %scan3A_86 = arith.constant 0 : i32
    %scan3A_87 = arith.constant 8 : i32
    %scan3A_88 = arith.constant 8 : i32
    %scan3A_89 = arith.addi %scan3A_87, %scan3A_88 : i32
    %scan3A_90 = arith.constant 1 : i32
    scf.for %scan3A_200 = %scan3A_87 to %scan3A_89 step %scan3A_90  : i32 {
      %parallel_loop3A = arith.constant 0 : i32
      %parallel_loop3A_201 = arith.constant 1024 : i32
      %parallel_loop3A_202 = arith.constant 16 : i32
      scf.for %parallel_loop3A_203 = %parallel_loop3A to %parallel_loop3A_201 step %parallel_loop3A_202  : i32 {
        %parallel_loop3A_204 = arith.index_cast %scan3A_200 : i32 to index
        %parallel_loop3A_205 = arith.index_cast %parallel_loop3A_203 : i32 to index
        %parallel_loop3A_206 = tpu.vector_load %arg5[%parallel_loop3A_204, %parallel_loop3A_205] {strides = array<i32>} : memref<32x1024xi32, #tpu.memory_space<vmem>>, vector<16xi32>,
        %parallel_loop3A_207 = tpu.vector_load_idx %arg7[%parallel_loop3A_206] : memref<1024xf32, #tpu.memory_space<vmem>>[vector<16xi32>], vector<16xf32>,
        %parallel_loop3A_208 = arith.index_cast %scan3A_200 : i32 to index
        %parallel_loop3A_209 = arith.index_cast %parallel_loop3A_203 : i32 to index
        %parallel_loop3A_210 = tpu.vector_load %arg6[%parallel_loop3A_208, %parallel_loop3A_209] {strides = array<i32>} : memref<32x1024xf32, #tpu.memory_space<vmem>>, vector<16xf32>,
        tpu.vector_store %arg6[%parallel_loop3A_208, %parallel_loop3A_209], %parallel_loop3A_207 {strides = array<i32>} : memref<32x1024xf32, #tpu.memory_space<vmem>>, vector<16xf32>,
      } {sc.loop_unroll_factor = 8 : i64, sc.parallel_access}
    }
    %scan3A_91 = arith.constant 8 : i32
    %add3A_92 = arith.constant 8 : i32
    %add3A_93 = arith.addi %mul3A_2, %add3A_92 : i32
    %dma_start3A_94 = arith.constant 8 : i32
    %dma_start3A_95 = arith.constant 0 : i32
    %dma_start3A_96 = tpu.memref_slice %arg6[%dma_start3A_94, %dma_start3A_95] : memref<32x1024xf32, #tpu.memory_space<vmem>> -> memref<8x1024xf32, #tpu.memory_space<vmem>>
    %dma_start3A_97 = arith.constant 0 : i32
    %dma_start3A_98 = tpu.memref_slice %arg4[%add3A_93, %dma_start3A_97] : memref<1024x1024xf32, #tpu.memory_space<hbm>> -> memref<8x1024xf32, #tpu.memory_space<hbm>>
    %dma_start3A_99 = arith.constant 0 : i32
    %dma_start3A_100 = tpu.memref_slice %arg4[%add3A_93, %dma_start3A_99] : memref<1024x1024xf32, #tpu.memory_space<hbm>> -> memref<8x1024xf32, #tpu.memory_space<hbm>>
    %dma_start3A_101 = arith.constant 8 : i32
    %dma_start3A_102 = arith.constant 0 : i32
    %dma_start3A_103 = tpu.memref_slice %arg6[%dma_start3A_101, %dma_start3A_102] : memref<32x1024xf32, #tpu.memory_space<vmem>> -> memref<8x1024xf32, #tpu.memory_space<vmem>>
    tpu.enqueue_dma source(%dma_start3A_103 : memref<8x1024xf32, #tpu.memory_space<vmem>>) target(%dma_start3A_100 : memref<8x1024xf32, #tpu.memory_space<hbm>>) target_semaphore(%arg9 : memref<!tpu.dma_semaphore, #tpu.memory_space<semaphore_mem>>)
    %dma_wait3A_104 = arith.constant 16 : i32
    %dma_wait3A_105 = arith.constant 0 : i32
    %dma_wait3A_106 = tpu.memref_slice %arg5[%dma_wait3A_104, %dma_wait3A_105] : memref<32x1024xi32, #tpu.memory_space<vmem>> -> memref<8x1024xi32, #tpu.memory_space<vmem>>
    %dma_wait3A_107 = arith.constant 0 : i32
    %dma_wait3A_108 = tpu.memref_slice %arg2[%add3A_27, %dma_wait3A_107] : memref<1024x1024xi32, #tpu.memory_space<hbm>> -> memref<8x1024xi32, #tpu.memory_space<hbm>>
    %dma_wait3A_109 = arith.constant 16 : i32
    %dma_wait3A_110 = arith.constant 0 : i32
    %dma_wait3A_111 = tpu.memref_slice %arg5[%dma_wait3A_109, %dma_wait3A_110] : memref<32x1024xi32, #tpu.memory_space<vmem>> -> memref<8x1024xi32, #tpu.memory_space<vmem>>
    %dma_wait3A_112 = arith.constant 0 : i32
    %dma_wait3A_113 = tpu.memref_slice %arg2[%add3A_27, %dma_wait3A_112] : memref<1024x1024xi32, #tpu.memory_space<hbm>> -> memref<8x1024xi32, #tpu.memory_space<hbm>>
    tpu.wait_dma2 semaphore(%arg8 : memref<!tpu.dma_semaphore, #tpu.memory_space<semaphore_mem>>) src(%dma_wait3A_113 : memref<8x1024xi32, #tpu.memory_space<hbm>>) dst(%dma_wait3A_111 : memref<8x1024xi32, #tpu.memory_space<vmem>>)
    %scan3A_114 = arith.constant 0 : i32
    %scan3A_115 = arith.constant 16 : i32
    %scan3A_116 = arith.constant 8 : i32
    %scan3A_117 = arith.addi %scan3A_115, %scan3A_116 : i32
    %scan3A_118 = arith.constant 1 : i32
    scf.for %scan3A_200 = %scan3A_115 to %scan3A_117 step %scan3A_118  : i32 {
      %parallel_loop3A = arith.constant 0 : i32
      %parallel_loop3A_201 = arith.constant 1024 : i32
      %parallel_loop3A_202 = arith.constant 16 : i32
      scf.for %parallel_loop3A_203 = %parallel_loop3A to %parallel_loop3A_201 step %parallel_loop3A_202  : i32 {
        %parallel_loop3A_204 = arith.index_cast %scan3A_200 : i32 to index
        %parallel_loop3A_205 = arith.index_cast %parallel_loop3A_203 : i32 to index
        %parallel_loop3A_206 = tpu.vector_load %arg5[%parallel_loop3A_204, %parallel_loop3A_205] {strides = array<i32>} : memref<32x1024xi32, #tpu.memory_space<vmem>>, vector<16xi32>,
        %parallel_loop3A_207 = tpu.vector_load_idx %arg7[%parallel_loop3A_206] : memref<1024xf32, #tpu.memory_space<vmem>>[vector<16xi32>], vector<16xf32>,
        %parallel_loop3A_208 = arith.index_cast %scan3A_200 : i32 to index
        %parallel_loop3A_209 = arith.index_cast %parallel_loop3A_203 : i32 to index
        %parallel_loop3A_210 = tpu.vector_load %arg6[%parallel_loop3A_208, %parallel_loop3A_209] {strides = array<i32>} : memref<32x1024xf32, #tpu.memory_space<vmem>>, vector<16xf32>,
        tpu.vector_store %arg6[%parallel_loop3A_208, %parallel_loop3A_209], %parallel_loop3A_207 {strides = array<i32>} : memref<32x1024xf32, #tpu.memory_space<vmem>>, vector<16xf32>,
      } {sc.loop_unroll_factor = 8 : i64, sc.parallel_access}
    }
    %scan3A_119 = arith.constant 8 : i32
    %add3A_120 = arith.constant 16 : i32
    %add3A_121 = arith.addi %mul3A_2, %add3A_120 : i32
    %dma_start3A_122 = arith.constant 16 : i32
    %dma_start3A_123 = arith.constant 0 : i32
    %dma_start3A_124 = tpu.memref_slice %arg6[%dma_start3A_122, %dma_start3A_123] : memref<32x1024xf32, #tpu.memory_space<vmem>> -> memref<8x1024xf32, #tpu.memory_space<vmem>>
    %dma_start3A_125 = arith.constant 0 : i32
    %dma_start3A_126 = tpu.memref_slice %arg4[%add3A_121, %dma_start3A_125] : memref<1024x1024xf32, #tpu.memory_space<hbm>> -> memref<8x1024xf32, #tpu.memory_space<hbm>>
    %dma_start3A_127 = arith.constant 0 : i32
    %dma_start3A_128 = tpu.memref_slice %arg4[%add3A_121, %dma_start3A_127] : memref<1024x1024xf32, #tpu.memory_space<hbm>> -> memref<8x1024xf32, #tpu.memory_space<hbm>>
    %dma_start3A_129 = arith.constant 16 : i32
    %dma_start3A_130 = arith.constant 0 : i32
    %dma_start3A_131 = tpu.memref_slice %arg6[%dma_start3A_129, %dma_start3A_130] : memref<32x1024xf32, #tpu.memory_space<vmem>> -> memref<8x1024xf32, #tpu.memory_space<vmem>>
    tpu.enqueue_dma source(%dma_start3A_131 : memref<8x1024xf32, #tpu.memory_space<vmem>>) target(%dma_start3A_128 : memref<8x1024xf32, #tpu.memory_space<hbm>>) target_semaphore(%arg9 : memref<!tpu.dma_semaphore, #tpu.memory_space<semaphore_mem>>)
    %dma_wait3A_132 = arith.constant 24 : i32
    %dma_wait3A_133 = arith.constant 0 : i32
    %dma_wait3A_134 = tpu.memref_slice %arg5[%dma_wait3A_132, %dma_wait3A_133] : memref<32x1024xi32, #tpu.memory_space<vmem>> -> memref<8x1024xi32, #tpu.memory_space<vmem>>
    %dma_wait3A_135 = arith.constant 0 : i32
    %dma_wait3A_136 = tpu.memref_slice %arg2[%add3A_39, %dma_wait3A_135] : memref<1024x1024xi32, #tpu.memory_space<hbm>> -> memref<8x1024xi32, #tpu.memory_space<hbm>>
    %dma_wait3A_137 = arith.constant 24 : i32
    %dma_wait3A_138 = arith.constant 0 : i32
    %dma_wait3A_139 = tpu.memref_slice %arg5[%dma_wait3A_137, %dma_wait3A_138] : memref<32x1024xi32, #tpu.memory_space<vmem>> -> memref<8x1024xi32, #tpu.memory_space<vmem>>
    %dma_wait3A_140 = arith.constant 0 : i32
    %dma_wait3A_141 = tpu.memref_slice %arg2[%add3A_39, %dma_wait3A_140] : memref<1024x1024xi32, #tpu.memory_space<hbm>> -> memref<8x1024xi32, #tpu.memory_space<hbm>>
    tpu.wait_dma2 semaphore(%arg8 : memref<!tpu.dma_semaphore, #tpu.memory_space<semaphore_mem>>) src(%dma_wait3A_141 : memref<8x1024xi32, #tpu.memory_space<hbm>>) dst(%dma_wait3A_139 : memref<8x1024xi32, #tpu.memory_space<vmem>>)
    %scan3A_142 = arith.constant 0 : i32
    %scan3A_143 = arith.constant 24 : i32
    %scan3A_144 = arith.constant 8 : i32
    %scan3A_145 = arith.addi %scan3A_143, %scan3A_144 : i32
    %scan3A_146 = arith.constant 1 : i32
    scf.for %scan3A_200 = %scan3A_143 to %scan3A_145 step %scan3A_146  : i32 {
      %parallel_loop3A = arith.constant 0 : i32
      %parallel_loop3A_201 = arith.constant 1024 : i32
      %parallel_loop3A_202 = arith.constant 16 : i32
      scf.for %parallel_loop3A_203 = %parallel_loop3A to %parallel_loop3A_201 step %parallel_loop3A_202  : i32 {
        %parallel_loop3A_204 = arith.index_cast %scan3A_200 : i32 to index
        %parallel_loop3A_205 = arith.index_cast %parallel_loop3A_203 : i32 to index
        %parallel_loop3A_206 = tpu.vector_load %arg5[%parallel_loop3A_204, %parallel_loop3A_205] {strides = array<i32>} : memref<32x1024xi32, #tpu.memory_space<vmem>>, vector<16xi32>,
        %parallel_loop3A_207 = tpu.vector_load_idx %arg7[%parallel_loop3A_206] : memref<1024xf32, #tpu.memory_space<vmem>>[vector<16xi32>], vector<16xf32>,
        %parallel_loop3A_208 = arith.index_cast %scan3A_200 : i32 to index
        %parallel_loop3A_209 = arith.index_cast %parallel_loop3A_203 : i32 to index
        %parallel_loop3A_210 = tpu.vector_load %arg6[%parallel_loop3A_208, %parallel_loop3A_209] {strides = array<i32>} : memref<32x1024xf32, #tpu.memory_space<vmem>>, vector<16xf32>,
        tpu.vector_store %arg6[%parallel_loop3A_208, %parallel_loop3A_209], %parallel_loop3A_207 {strides = array<i32>} : memref<32x1024xf32, #tpu.memory_space<vmem>>, vector<16xf32>,
      } {sc.loop_unroll_factor = 8 : i64, sc.parallel_access}
    }
    %scan3A_147 = arith.constant 8 : i32
    %add3A_148 = arith.constant 24 : i32
    %add3A_149 = arith.addi %mul3A_2, %add3A_148 : i32
    %dma_start3A_150 = arith.constant 24 : i32
    %dma_start3A_151 = arith.constant 0 : i32
    %dma_start3A_152 = tpu.memref_slice %arg6[%dma_start3A_150, %dma_start3A_151] : memref<32x1024xf32, #tpu.memory_space<vmem>> -> memref<8x1024xf32, #tpu.memory_space<vmem>>
    %dma_start3A_153 = arith.constant 0 : i32
    %dma_start3A_154 = tpu.memref_slice %arg4[%add3A_149, %dma_start3A_153] : memref<1024x1024xf32, #tpu.memory_space<hbm>> -> memref<8x1024xf32, #tpu.memory_space<hbm>>
    %dma_start3A_155 = arith.constant 0 : i32
    %dma_start3A_156 = tpu.memref_slice %arg4[%add3A_149, %dma_start3A_155] : memref<1024x1024xf32, #tpu.memory_space<hbm>> -> memref<8x1024xf32, #tpu.memory_space<hbm>>
    %dma_start3A_157 = arith.constant 24 : i32
    %dma_start3A_158 = arith.constant 0 : i32
    %dma_start3A_159 = tpu.memref_slice %arg6[%dma_start3A_157, %dma_start3A_158] : memref<32x1024xf32, #tpu.memory_space<vmem>> -> memref<8x1024xf32, #tpu.memory_space<vmem>>
    tpu.enqueue_dma source(%dma_start3A_159 : memref<8x1024xf32, #tpu.memory_space<vmem>>) target(%dma_start3A_156 : memref<8x1024xf32, #tpu.memory_space<hbm>>) target_semaphore(%arg9 : memref<!tpu.dma_semaphore, #tpu.memory_space<semaphore_mem>>)
    %dma_wait3A_160 = arith.constant 0 : i32
    %dma_wait3A_161 = arith.constant 0 : i32
    %dma_wait3A_162 = tpu.memref_slice %arg6[%dma_wait3A_160, %dma_wait3A_161] : memref<32x1024xf32, #tpu.memory_space<vmem>> -> memref<8x1024xf32, #tpu.memory_space<vmem>>
    %dma_wait3A_163 = arith.constant 0 : i32
    %dma_wait3A_164 = tpu.memref_slice %arg4[%add3A_65, %dma_wait3A_163] : memref<1024x1024xf32, #tpu.memory_space<hbm>> -> memref<8x1024xf32, #tpu.memory_space<hbm>>
    %dma_wait3A_165 = arith.constant 0 : i32
    %dma_wait3A_166 = tpu.memref_slice %arg4[%add3A_65, %dma_wait3A_165] : memref<1024x1024xf32, #tpu.memory_space<hbm>> -> memref<8x1024xf32, #tpu.memory_space<hbm>>
    %dma_wait3A_167 = arith.constant 0 : i32
    %dma_wait3A_168 = arith.constant 0 : i32
    %dma_wait3A_169 = tpu.memref_slice %arg6[%dma_wait3A_167, %dma_wait3A_168] : memref<32x1024xf32, #tpu.memory_space<vmem>> -> memref<8x1024xf32, #tpu.memory_space<vmem>>
    tpu.wait_dma2 semaphore(%arg9 : memref<!tpu.dma_semaphore, #tpu.memory_space<semaphore_mem>>) src(%dma_wait3A_169 : memref<8x1024xf32, #tpu.memory_space<vmem>>) dst(%dma_wait3A_166 : memref<8x1024xf32, #tpu.memory_space<hbm>>)
    %dma_wait3A_170 = arith.constant 8 : i32
    %dma_wait3A_171 = arith.constant 0 : i32
    %dma_wait3A_172 = tpu.memref_slice %arg6[%dma_wait3A_170, %dma_wait3A_171] : memref<32x1024xf32, #tpu.memory_space<vmem>> -> memref<8x1024xf32, #tpu.memory_space<vmem>>
    %dma_wait3A_173 = arith.constant 0 : i32
    %dma_wait3A_174 = tpu.memref_slice %arg4[%add3A_93, %dma_wait3A_173] : memref<1024x1024xf32, #tpu.memory_space<hbm>> -> memref<8x1024xf32, #tpu.memory_space<hbm>>
    %dma_wait3A_175 = arith.constant 0 : i32
    %dma_wait3A_176 = tpu.memref_slice %arg4[%add3A_93, %dma_wait3A_175] : memref<1024x1024xf32, #tpu.memory_space<hbm>> -> memref<8x1024xf32, #tpu.memory_space<hbm>>
    %dma_wait3A_177 = arith.constant 8 : i32
    %dma_wait3A_178 = arith.constant 0 : i32
    %dma_wait3A_179 = tpu.memref_slice %arg6[%dma_wait3A_177, %dma_wait3A_178] : memref<32x1024xf32, #tpu.memory_space<vmem>> -> memref<8x1024xf32, #tpu.memory_space<vmem>>
    tpu.wait_dma2 semaphore(%arg9 : memref<!tpu.dma_semaphore, #tpu.memory_space<semaphore_mem>>) src(%dma_wait3A_179 : memref<8x1024xf32, #tpu.memory_space<vmem>>) dst(%dma_wait3A_176 : memref<8x1024xf32, #tpu.memory_space<hbm>>)
    %dma_wait3A_180 = arith.constant 16 : i32
    %dma_wait3A_181 = arith.constant 0 : i32
    %dma_wait3A_182 = tpu.memref_slice %arg6[%dma_wait3A_180, %dma_wait3A_181] : memref<32x1024xf32, #tpu.memory_space<vmem>> -> memref<8x1024xf32, #tpu.memory_space<vmem>>
    %dma_wait3A_183 = arith.constant 0 : i32
    %dma_wait3A_184 = tpu.memref_slice %arg4[%add3A_121, %dma_wait3A_183] : memref<1024x1024xf32, #tpu.memory_space<hbm>> -> memref<8x1024xf32, #tpu.memory_space<hbm>>
    %dma_wait3A_185 = arith.constant 0 : i32
    %dma_wait3A_186 = tpu.memref_slice %arg4[%add3A_121, %dma_wait3A_185] : memref<1024x1024xf32, #tpu.memory_space<hbm>> -> memref<8x1024xf32, #tpu.memory_space<hbm>>
    %dma_wait3A_187 = arith.constant 16 : i32
    %dma_wait3A_188 = arith.constant 0 : i32
    %dma_wait3A_189 = tpu.memref_slice %arg6[%dma_wait3A_187, %dma_wait3A_188] : memref<32x1024xf32, #tpu.memory_space<vmem>> -> memref<8x1024xf32, #tpu.memory_space<vmem>>
    tpu.wait_dma2 semaphore(%arg9 : memref<!tpu.dma_semaphore, #tpu.memory_space<semaphore_mem>>) src(%dma_wait3A_189 : memref<8x1024xf32, #tpu.memory_space<vmem>>) dst(%dma_wait3A_186 : memref<8x1024xf32, #tpu.memory_space<hbm>>)
    %dma_wait3A_190 = arith.constant 24 : i32
    %dma_wait3A_191 = arith.constant 0 : i32
    %dma_wait3A_192 = tpu.memref_slice %arg6[%dma_wait3A_190, %dma_wait3A_191] : memref<32x1024xf32, #tpu.memory_space<vmem>> -> memref<8x1024xf32, #tpu.memory_space<vmem>>
    %dma_wait3A_193 = arith.constant 0 : i32
    %dma_wait3A_194 = tpu.memref_slice %arg4[%add3A_149, %dma_wait3A_193] : memref<1024x1024xf32, #tpu.memory_space<hbm>> -> memref<8x1024xf32, #tpu.memory_space<hbm>>
    %dma_wait3A_195 = arith.constant 0 : i32
    %dma_wait3A_196 = tpu.memref_slice %arg4[%add3A_149, %dma_wait3A_195] : memref<1024x1024xf32, #tpu.memory_space<hbm>> -> memref<8x1024xf32, #tpu.memory_space<hbm>>
    %dma_wait3A_197 = arith.constant 24 : i32
    %dma_wait3A_198 = arith.constant 0 : i32
    %dma_wait3A_199 = tpu.memref_slice %arg6[%dma_wait3A_197, %dma_wait3A_198] : memref<32x1024xf32, #tpu.memory_space<vmem>> -> memref<8x1024xf32, #tpu.memory_space<vmem>>
    tpu.wait_dma2 semaphore(%arg9 : memref<!tpu.dma_semaphore, #tpu.memory_space<semaphore_mem>>) src(%dma_wait3A_199 : memref<8x1024xf32, #tpu.memory_space<vmem>>) dst(%dma_wait3A_196 : memref<8x1024xf32, #tpu.memory_space<hbm>>)
    return
  }
}

module attributes {stable_mosaic.version = 14 : i64} {
  func.func @_prep_body(%arg0: memref<1024x128xf32, #tpu.memory_space<vmem>>, %arg1: memref<128x64xf32, #tpu.memory_space<vmem>>, %arg2: memref<1x64xf32, #tpu.memory_space<vmem>>, %arg3: memref<1x128xf32, #tpu.memory_space<vmem>>, %arg4: memref<1024x64xf32, #tpu.memory_space<vmem>>, %arg5: memref<1x1024xf32, #tpu.memory_space<vmem>>) attributes {dimension_semantics = [], scalar_prefetch = 0 : i64, scratch_operands = 0 : i64, tpu.core_type = #tpu.core_type<tc>} {
    %get3A = arith.constant 0 : index
    %get3A_0 = arith.constant 0 : index
    %get3A_1 = vector.load %arg0[%get3A, %get3A_0] : memref<1024x128xf32, #tpu.memory_space<vmem>>, vector<1024x128xf32>
    %get3A_2 = arith.constant 0 : index
    %get3A_3 = arith.constant 0 : index
    %get3A_4 = vector.load %arg1[%get3A_2, %get3A_3] : memref<128x64xf32, #tpu.memory_space<vmem>>, vector<128x64xf32>
    %dot_general3A = arith.constant dense<0.000000e+00> : vector<1024x64xf32>
    %dot_general3A_5 = tpu.matmul %get3A_1, %get3A_4, %dot_general3A {dimension_numbers = #tpu.dot_dimension_numbers<[1], [0], [0], [1], [0, 0, 1, 1], [], []>, transpose_lhs_hint = false} : vector<1024x128xf32>, vector<128x64xf32>, vector<1024x64xf32> -> vector<1024x64xf32>
    %get3A_6 = arith.constant 0 : index
    %get3A_7 = arith.constant 0 : index
    %get3A_8 = vector.load %arg2[%get3A_6, %get3A_7] : memref<1x64xf32, #tpu.memory_space<vmem>>, vector<1x64xf32>
    %add3A = vector.broadcast %get3A_8 : vector<1x64xf32> to vector<1024x64xf32>
    %add3A_9 = arith.addf %dot_general3A_5, %add3A : vector<1024x64xf32>
    %swap3A = arith.constant 0 : index
    %swap3A_10 = arith.constant 0 : index
    %swap3A_11 = vector.load %arg4[%swap3A, %swap3A_10] : memref<1024x64xf32, #tpu.memory_space<vmem>>, vector<1024x64xf32>
    tpu.vector_store %arg4[%swap3A, %swap3A_10], %add3A_9 {strides = array<i32>} : memref<1024x64xf32, #tpu.memory_space<vmem>>, vector<1024x64xf32>,
    %get3A_12 = arith.constant 0 : index
    %get3A_13 = arith.constant 64 : index
    %get3A_14 = vector.load %arg3[%get3A_12, %get3A_13] : memref<1x128xf32, #tpu.memory_space<vmem>>, vector<1x64xf32>
    %transpose3A = tpu.transpose %add3A_9, [1, 0] : vector<1024x64xf32> -> vector<64x1024xf32>
    %dot_general3A_15 = arith.constant dense<0.000000e+00> : vector<1x1024xf32>
    %dot_general3A_16 = tpu.matmul %get3A_14, %transpose3A, %dot_general3A_15 {dimension_numbers = #tpu.dot_dimension_numbers<[1], [0], [0], [1], [0, 0, 1, 1], [], []>, transpose_lhs_hint = false} : vector<1x64xf32>, vector<64x1024xf32>, vector<1x1024xf32> -> vector<1x1024xf32>
    %swap3A_17 = arith.constant 0 : index
    %swap3A_18 = arith.constant 0 : index
    %swap3A_19 = vector.load %arg5[%swap3A_17, %swap3A_18] : memref<1x1024xf32, #tpu.memory_space<vmem>>, vector<1x1024xf32>
    tpu.vector_store %arg5[%swap3A_17, %swap3A_18], %dot_general3A_16 {strides = array<i32>} : memref<1x1024xf32, #tpu.memory_space<vmem>>, vector<1x1024xf32>,
    return
  }
}

module attributes {stable_mosaic.version = 14 : i64} {
  func.func @_attn_body(%arg0: i32, %arg1: memref<512x1024xf32, #tpu.memory_space<vmem>>, %arg2: memref<512x64xf32, #tpu.memory_space<vmem>>, %arg3: memref<1024x64xf32, #tpu.memory_space<vmem>>, %arg4: memref<128x1xf32, #tpu.memory_space<vmem>>, %arg5: memref<1x1xf32, #tpu.memory_space<vmem>>, %arg6: memref<64x512xf32, #tpu.memory_space<vmem>>) attributes {dimension_semantics = [#tpu.dimension_semantics<arbitrary>], iteration_bounds = array<i64: 2>, scalar_prefetch = 0 : i64, scratch_operands = 0 : i64, tpu.core_type = #tpu.core_type<tc>, window_params = [{transform_indices = @transform_0, window_bounds = array<i64: 512, 1024>}, {transform_indices = @transform_1, window_bounds = array<i64: 512, 64>}, {pipeline_mode = #tpu.pipeline_mode<synchronous>, transform_indices = @transform_2, window_bounds = array<i64: 1024, 64>}, {pipeline_mode = #tpu.pipeline_mode<synchronous>, transform_indices = @transform_3, window_bounds = array<i64: 128, 1>}, {pipeline_mode = #tpu.pipeline_mode<synchronous>, transform_indices = @transform_4, window_bounds = array<i64: 1, 1>}, {transform_indices = @transform_5, window_bounds = array<i64: 64, 512>}]} {
    %get3A = arith.constant 0 : index
    %get3A_0 = arith.constant 0 : index
    %get3A_1 = vector.load %arg4[%get3A, %get3A_0] : memref<128x1xf32, #tpu.memory_space<vmem>>, vector<64x1xf32>
    %get3A_2 = arith.constant 0 : index
    %get3A_3 = arith.constant 0 : index
    %get3A_4 = vector.load %arg2[%get3A_2, %get3A_3] : memref<512x64xf32, #tpu.memory_space<vmem>>, vector<512x64xf32>
    %dot_general3A = arith.constant dense<0.000000e+00> : vector<512x1xf32>
    %dot_general3A_5 = tpu.matmul %get3A_4, %get3A_1, %dot_general3A {dimension_numbers = #tpu.dot_dimension_numbers<[1], [0], [0], [1], [0, 0, 1, 1], [], []>, transpose_lhs_hint = false} : vector<512x64xf32>, vector<64x1xf32>, vector<512x1xf32> -> vector<512x1xf32>
    %get3A_6 = arith.constant 0 : index
    %get3A_7 = arith.constant 0 : index
    %get3A_8 = vector.load %arg1[%get3A_6, %get3A_7] : memref<512x1024xf32, #tpu.memory_space<vmem>>, vector<512x1024xf32>
    %add3A = vector.broadcast %dot_general3A_5 : vector<512x1xf32> to vector<512x1024xf32>
    %add3A_9 = arith.addf %get3A_8, %add3A : vector<512x1024xf32>
    %get3A_10 = arith.constant 0 : index
    %get3A_11 = arith.constant 0 : index
    %get3A_12 = vector.load %arg5[%get3A_10, %get3A_11] : memref<1x1xf32, #tpu.memory_space<vmem>>, vector<1x1xf32>
    %add3A_13 = vector.broadcast %get3A_12 : vector<1x1xf32> to vector<512x1024xf32>
    %add3A_14 = arith.addf %add3A_9, %add3A_13 : vector<512x1024xf32>
    %ge3A = arith.constant 0.000000e+00 : f32
    %ge3A_15 = vector.broadcast %ge3A : f32 to vector<512x1024xf32>
    %ge3A_16 = arith.cmpf oge, %add3A_14, %ge3A_15 : vector<512x1024xf32>
    %mul3A = arith.constant 2.000000e-01 : f32
    %mul3A_17 = vector.broadcast %mul3A : f32 to vector<512x1024xf32>
    %mul3A_18 = arith.mulf %mul3A_17, %add3A_14 : vector<512x1024xf32>
    %select_n3A = arith.select %ge3A_16, %add3A_14, %mul3A_18 : vector<512x1024xi1>, vector<512x1024xf32>
    %reduce_max3A = arith.constant dense<0xFF800000> : vector<512xf32>
    %reduce_max3A_19 = vector.multi_reduction <maximumf>, %select_n3A, %reduce_max3A [1] : vector<512x1024xf32> to vector<512xf32>
    %broadcast_in_dim3A = vector.shape_cast %reduce_max3A_19 : vector<512xf32> to vector<512x1xf32>
    %sub3A = vector.broadcast %broadcast_in_dim3A : vector<512x1xf32> to vector<512x1024xf32>
    %sub3A_20 = arith.subf %select_n3A, %sub3A : vector<512x1024xf32>
    %exp3A = math.exp %sub3A_20 : vector<512x1024xf32>
    %reduce_sum3A = arith.constant dense<0.000000e+00> : vector<512xf32>
    %reduce_sum3A_21 = vector.multi_reduction <add>, %exp3A, %reduce_sum3A [1] : vector<512x1024xf32> to vector<512xf32>
    %broadcast_in_dim3A_22 = vector.shape_cast %reduce_sum3A_21 : vector<512xf32> to vector<512x1xf32>
    %div3A = vector.broadcast %broadcast_in_dim3A_22 : vector<512x1xf32> to vector<512x1024xf32>
    %div3A_23 = arith.divf %exp3A, %div3A : vector<512x1024xf32>
    %get3A_24 = arith.constant 0 : index
    %get3A_25 = arith.constant 0 : index
    %get3A_26 = vector.load %arg3[%get3A_24, %get3A_25] : memref<1024x64xf32, #tpu.memory_space<vmem>>, vector<1024x64xf32>
    %dot_general3A_27 = arith.constant dense<0.000000e+00> : vector<512x64xf32>
    %dot_general3A_28 = tpu.matmul %div3A_23, %get3A_26, %dot_general3A_27 {dimension_numbers = #tpu.dot_dimension_numbers<[1], [0], [0], [1], [0, 0, 1, 1], [], []>, transpose_lhs_hint = false} : vector<512x1024xf32>, vector<1024x64xf32>, vector<512x64xf32> -> vector<512x64xf32>
    %transpose3A = tpu.transpose %dot_general3A_28, [1, 0] : vector<512x64xf32> -> vector<64x512xf32>
    %swap3A = arith.constant 0 : index
    %swap3A_29 = arith.constant 0 : index
    %swap3A_30 = vector.load %arg6[%swap3A, %swap3A_29] : memref<64x512xf32, #tpu.memory_space<vmem>>, vector<64x512xf32>
    tpu.vector_store %arg6[%swap3A, %swap3A_29], %transpose3A {strides = array<i32>} : memref<64x512xf32, #tpu.memory_space<vmem>>, vector<64x512xf32>,
    return
  }
  func.func @transform_0(%arg0: i32) -> (i32, i32) {
    %c0_i32 = arith.constant 0 : i32
    %c0_i32_0 = arith.constant 0 : i32
    return %arg0, %c0_i32 : i32, i32
  }
  func.func @transform_1(%arg0: i32) -> (i32, i32) {
    %c0_i32 = arith.constant 0 : i32
    %c0_i32_0 = arith.constant 0 : i32
    return %arg0, %c0_i32 : i32, i32
  }
  func.func @transform_2(%arg0: i32) -> (i32, i32) {
    %c0_i32 = arith.constant 0 : i32
    %c0_i32_0 = arith.constant 0 : i32
    %c0_i32_1 = arith.constant 0 : i32
    return %c0_i32, %c0_i32_0 : i32, i32
  }
  func.func @transform_3(%arg0: i32) -> (i32, i32) {
    %c0_i32 = arith.constant 0 : i32
    %c0_i32_0 = arith.constant 0 : i32
    %c0_i32_1 = arith.constant 0 : i32
    return %c0_i32, %c0_i32_0 : i32, i32
  }
  func.func @transform_4(%arg0: i32) -> (i32, i32) {
    %c0_i32 = arith.constant 0 : i32
    %c0_i32_0 = arith.constant 0 : i32
    %c0_i32_1 = arith.constant 0 : i32
    return %c0_i32, %c0_i32_0 : i32, i32
  }
  func.func @transform_5(%arg0: i32) -> (i32, i32) {
    %c0_i32 = arith.constant 0 : i32
    %c0_i32_0 = arith.constant 0 : i32
    return %c0_i32, %arg0 : i32, i32
  }
}

</mosaic_0001>

<sc_bundles>
// kernel: kernel.5.cloned.1.call-start
scs
__scs_entry_jumppad:
0x0: {  	(pc) =	sbr.rel $0x88, $3  }
0x1: {  	(tag) =	ssettag $0x0;
	lr =	simm.s32 $0x1  }
0x2: {  	[smem:$0x3F9B] =	sst lr;
	_ =	strace $0xD0000000  }
0x3: {  	_ = 	snop  }
0x4: {  	_ = 	snop  }
0x5: {  	_ = 	snop  }
0x6: {  	_ = 	snop  }
0x7: {  	_ = 	snop  }
__scs_overlays_trampoline_lowered:
0x8: {  	[smem:$0x3FAA] =	sst s0  }
0x9: {  	[smem:$0x3FAB] =	sst s1  }
0xa: {  	[smem:$0x3FAC] =	sst s2  }
0xb: {  	[smem:$0x3FAD] =	sst s3  }
0xc: {  	[smem:$0x3FAE] =	sst s4  }
0xd: {  	[smem:$0x3FAF] =	sst s5  }
0xe: {  	[smem:$0x3FB0] =	sst s6  }
0xf: {  	[smem:$0x3FB1] =	sst s7  }
0x10: {  	[smem:$0x3FB2] =	sst s8  }
0x11: {  	[smem:$0x3FB3] =	sst s9;
	s0 =	simm.s32 @!p0 $0x0  }
0x12: {  	s1 =	sld [smem:$0x3F99];
	s0 =	simm.s32 @p0 $0x1  }
0x13: {  	[smem:$0x3FB4] =	sst s0;
	s0 =	simm.s32 @!p1 $0x0  }
0x14: {  	s2 =	sld [smem:$0x3F98];
	s0 =	simm.s32 @p1 $0x1  }
0x15: {  	[smem:$0x3FB5] =	sst s0;
	s0 =	simm.s32 @!p2 $0x0  }
0x16: {  	s3 =	sld [smem:$0x3FDB];
	s0 =	simm.s32 @p2 $0x1  }
0x17: {  	s4 =	simm.s32 $0x1BF5;
	[smem:$0x3FB7] =	sst s0  }
0x18: {  	s0 =	sld [smem:$0x3F9A];
	_ =	swait.ge [sflag:s4], $0x0  }
0x19: {  	s7 =	sld [smem:$0x3F9B]  }
0x1a: {  	s8 =	sadd.s32 $0xFFFFE003, lr  }
0x1b: {  	s9 =	sadd.s32 $0xFFFFFEF7, lr;
	s5 =	simm.s32 $0xFFFFFFFF;
	p2 =	slt.u32 s8, $0xFFFFF086  }
0x1c: {  	p1 =	slt.u32 s9, $0xF7A;
	s5 =	simm.s32 @!p2 $0x0  }
0x1d: {  	s5 =	simm.s32 @p1 $0x1;
	p0 =	seq.s32 s7, s2  }
0x1e: {  	s7 =	smul.u32 @!p0 $0xF7A, s2;
	p2 =	seq.s32 @!p0 s5, $0x0  }
0x1f: {  	s9 =	smul.u32 $0xF7A, s1;
	s8 =	simm.s32 @!p0 $0x1BF5;
	p2 =	por !p2, p0  }
0x20: {  	[sflag:s8] =	ssyncset.s32 @!p0 $0xFFFFF086;
	s6 =	sadd.s32 @!p0 s3, s7;
	s7 =	simm.s32 @!p0 $0x108  }
0x21: {  	s3 =	sadd.s32 s3, s9;
	s6 =	sadd.s32 @!p0 $0x88, s6;
	s7 =	simm.s32 @p2 $0x1082  }
0x22: {  	[simem:s7], [sflag:s8] =	dma.local @!p0 [hbm:s6], $0xF7A  }
0x23: {  	s9 =	sor.u32 $0xD0000000, s2;
	s6 =	simm.s32 $0x108;
	_ =	swait.ge @!p0 [sflag:s8], $0x0  }
0x24: {  	s3 =	sadd.s32 $0x88, s3;
	s6 =	simm.s32 @!p1 $0x1082;
	[sflag:s4] =	ssyncset.s32 $0xFFFFF086  }
0x25: {  	[simem:s6], [sflag:s4] =	dma.local [hbm:s3], $0xF7A  }
0x26: {  	[smem:$0x3F9B] =	sst s1;
	(tag) =	ssettag s2;
	_ =	strace s9  }
0x27: {  	s1 =	sld [smem:$0x3FAB]  }
0x28: {  	s2 =	sld [smem:$0x3FAC]  }
0x29: {  	s4 =	sld [smem:$0x3FAE]  }
0x2a: {  	p0 =	seq.s32 s5, $0x0;
	s5 =	sld [smem:$0x3FAF]  }
0x2b: {  	s6 =	sld [smem:$0x3FB0]  }
0x2c: {  	s7 =	sld [smem:$0x3FB1]  }
0x2d: {  	s3 =	simm.s32 $0x108;
	s8 =	sld [smem:$0x3FB2]  }
0x2e: {  	s3 =	simm.s32 @!p0 $0x1082;
	s9 =	sld [smem:$0x3FB3]  }
0x2f: {  	lr =	sadd.s32 s0, s3;
	s0 =	sld [smem:$0x3FAA]  }
0x30: {  	s3 =	sld [smem:$0x3FAD]  }
0x31: {  	[smem:$0x3FB6] =	sst s10  }
0x32: {  	s10 =	sld [smem:$0x3FB4];
	_ =	sdelay $0x3  }
0x33: {  	p0 =	seq.s32 s10, $0x1;
	s10 =	sld [smem:$0x3FB6];
	_ =	sdelay $0x3  }
0x34: {  	[smem:$0x3FB6] =	sst s10  }
0x35: {  	s10 =	sld [smem:$0x3FB5];
	_ =	sdelay $0x3  }
0x36: {  	p1 =	seq.s32 s10, $0x1;
	s10 =	sld [smem:$0x3FB6];
	_ =	sdelay $0x3  }
0x37: {  	[smem:$0x3FB6] =	sst s10  }
0x38: {  	s10 =	sld [smem:$0x3FB7]  }
0x39: {  	_ = 	snop;
	(pc) =	sbr.ind lr, $3  }
0x3a: {  	_ = 	snop  }
0x3b: {  	_ = 	snop  }
0x3c: {  	p2 =	seq.s32 s10, $0x1;
	s10 =	sld [smem:$0x3FB6]  }
0x3d: {  	_ =	shalt  }
0x3e: {  	_ =	shalt  }
0x3f: {  	_ =	shalt  }
0x40: {  	_ =	shalt  }
0x41: {  	_ =	shalt  }
0x42: {  	_ =	shalt  }
0x43: {  	_ =	shalt  }
0x44: {  	_ =	shalt  }
0x45: {  	_ =	shalt  }
0x46: {  	_ =	shalt  }
0x47: {  	_ =	shalt  }
0x48: {  	_ =	shalt  }
0x49: {  	_ =	shalt  }
0x4a: {  	_ =	shalt  }
0x4b: {  	_ =	shalt  }
0x4c: {  	_ =	shalt  }
0x4d: {  	_ =	shalt  }
0x4e: {  	_ =	shalt  }
0x4f: {  	_ =	shalt  }
0x50: {  	_ =	shalt  }
0x51: {  	_ =	shalt  }
0x52: {  	_ =	shalt  }
0x53: {  	_ =	shalt  }
0x54: {  	_ =	shalt  }
0x55: {  	_ =	shalt  }
0x56: {  	_ =	shalt  }
0x57: {  	_ =	shalt  }
0x58: {  	_ =	shalt  }
0x59: {  	_ =	shalt  }
0x5a: {  	_ =	shalt  }
0x5b: {  	_ =	shalt  }
0x5c: {  	_ =	shalt  }
0x5d: {  	_ =	shalt  }
0x5e: {  	_ =	shalt  }
0x5f: {  	_ =	shalt  }
0x60: {  	_ =	shalt  }
0x61: {  	_ =	shalt  }
0x62: {  	_ =	shalt  }
0x63: {  	_ =	shalt  }
0x64: {  	_ =	shalt  }
0x65: {  	_ =	shalt  }
0x66: {  	_ =	shalt  }
0x67: {  	_ =	shalt  }
0x68: {  	_ =	shalt  }
0x69: {  	_ =	shalt  }
0x6a: {  	_ =	shalt  }
0x6b: {  	_ =	shalt  }
0x6c: {  	_ =	shalt  }
0x6d: {  	_ =	shalt  }
0x6e: {  	_ =	shalt  }
0x6f: {  	_ =	shalt  }
0x70: {  	_ =	shalt  }
0x71: {  	_ =	shalt  }
0x72: {  	_ =	shalt  }
0x73: {  	_ =	shalt  }
0x74: {  	_ =	shalt  }
0x75: {  	_ =	shalt  }
0x76: {  	_ =	shalt  }
0x77: {  	_ =	shalt  }
0x78: {  	_ =	shalt  }
0x79: {  	_ =	shalt  }
0x7a: {  	_ =	shalt  }
0x7b: {  	_ =	shalt  }
0x7c: {  	_ =	shalt  }
0x7d: {  	_ =	shalt  }
0x7e: {  	_ =	shalt  }
0x7f: {  	_ =	shalt  }
0x80: {  	_ =	shalt  }
0x81: {  	_ =	shalt  }
0x82: {  	_ =	shalt  }
0x83: {  	_ =	shalt  }
0x84: {  	_ =	shalt  }
0x85: {  	_ =	shalt  }
0x86: {  	_ =	shalt  }
0x87: {  	_ =	shalt  }
.Lfunc_end0:
.L_simem_size_0:
called_computation_lowered:
.L_overlay_start_0:
0x88: {  	s2 =	sld [smem:$0x3FD9]  }
0x89: {  	s3 =	sld [smem:$0x3FFE];
	_ =	sdelay $0x1  }
0x8a: {  	s1 =	srdreg.scid  }
0x8b: {  	s0 =	sand.u32 $0x1, s1  }
0x8c: {  	s17 =	sshll.u32 s0, $0xA;
	s2 =	sadd.s32 s3, s2  }
0x8d: {  	s2 =	sadd.s32 s2, s17  }
0x8e: {  	[smem:$0x3FC2] =	sst s2  }
0x8f: {  	_ = 	snop  }
0x90: {  	s2 =	sld [smem:$0x3FC8]  }
0x91: {  	s18 =	sld [smem:$0x3FD0];
	(tm) =	ssettm $0x1  }
0x92: {  	s4 =	sld [smem:$0x3FFB];
	_ =	sdelay $0x3  }
0x93: {  	_ =	strace s4  }
0x94: {  	s4 =	sld [smem:$0x3FFC];
	_ =	sdelay $0x3  }
0x95: {  	_ =	strace s4  }
0x96: {  	s4 =	sld [smem:$0x3FFD];
	_ =	sdelay $0x3  }
0x97: {  	_ =	strace s4  }
0x98: {  	_ =	strace $0x8FFFFFFF  }
0x99: {  	s19 =	sld [smem:$0x3FDB];
	_ =	sdelay $0x1  }
0x9a: {  	s5 =	simm.s32 $_scs_section_size  }
0x9b: {  	s6 =	simm.s32 $_size__tile_overlayer_lowered;
	s7 =	simm.s32 $_tile_overlayer_lowered  }
0x9c: {  	s22 =	simm.s32 $0x1BFF;
	s21 =	sshll.u32 s7, $0x1;
	s4 =	sadd.s32 s5, s19  }
0x9d: {  	s8 =	simm.s32 $0x0;
	s20 =	sshll.u32 s6, $0x1;
	s6 =	sadd.s32 s21, s4  }
0x9e: {  	[timem:s8], [sflag:s22] =	dma.local [hbm:s6], s20  }
0x9f: {  	_ =	swait.ge [sflag:s22], s20  }
0xa0: {  	s5 =	ssub.s32 $0x0, s20;
	[sflag:s22] =	ssyncset.done $0x0  }
0xa1: {  	[sflag:s22] =	ssyncadd.s32 s5;
	_ =	sdelay $0x1  }
0xa2: {  	s23 =	simm.s32 $0x1B8B  }
0xa3: {  	_ =	swait.ge [sflag:s23], $0x1  }
0xa4: {  	[sflag:s23] =	ssyncset.done $0x0  }
0xa5: {  	s25 =	simm.s32 $0x1B8E;
	s24 =	sld [smem:$0x3FFE];
	[sflag:s23] =	ssyncadd.s32 $0xFFFFFFFF  }
0xa6: {  	s26 =	simm.s32 $execute0_lowered;
	[smem:$0x3FD2] =	sst s25  }
0xa7: {  	s6 =	sshll.u32 s26, $0x1;
	_ =	strace $0x80000046;
	[dreg:$0x1] =	wrdreg $0xFFFFFFFF  }
0xa8: {  	s28 =	simm.s32 $_size_execute0_lowered;
	s4 =	sadd.s32 s4, s6;
	[dreg:$0x0] =	wrdreg $0x0  }
0xa9: {  	s6 =	sshll.u32 s28, $0x1;
	[dreg:$0x2] =	wrdreg s4  }
0xaa: {  	[dreg:$0x3] =	wrdreg s6  }
0xab: {  	[dreg:$0x4] =	wrdreg $0xC0  }
0xac: {  	_ =	task [dreg:s8], $0x5FFFF  }
0xad: {  	[dreg:$0x1] =	wrdreg $0xFFFFFFFF  }
0xae: {  	[dreg:$0x0] =	wrdreg $0x60  }
0xaf: {  	[dreg:$0x2] =	wrdreg s2  }
0xb0: {  	[dreg:$0x3] =	wrdreg s18  }
0xb1: {  	[dreg:$0x4] =	wrdreg s24  }
0xb2: {  	[dreg:$0x5] =	wrdreg $0x9  }
0xb3: {  	_ =	task.clear_ibuf [dreg:s8], $0x6FFFF;
	_ =	strace $0x90000046  }
0xb4: {  	s29 =	simm.s32 $0x9;
	_ =	strace $0x80000048  }
0xb5: {  	_ =	swait.ge [sflag:s29], $0x1  }
0xb6: {  	[sflag:s29] =	ssyncadd.s32 $0xFFFFFFFF  }
0xb7: {  	_ =	strace $0x90000048  }
0xb8: {  	_ =	sfence  }
0xb9: {  	s30 =	sld [smem:$0x0];
	_ =	sdelay $0x2  }
0xba: {  	s31 =	sshll.u32 s1, $0xD;
	s1 =	sshrl.u32 s1, $0x2  }
0xbb: {  	s3 =	sand.u32 $0x4000, s31;
	s1 =	sadd.s32 s1, s30  }
0xbc: {  	s0 =	sor.u32 s3, s0;
	s1 =	sshll.u32 s1, $0x11  }
0xbd: {  	s0 =	sor.u32 s1, s0  }
0xbe: {  	s0 =	sadd.s32 $0x8F2B, s0  }
0xbf: {  	[sflag:s0] =	ssyncadd.remote.s32 $0x1  }
0xc0: {  	_ =	sfence.sel $0xFFFF  }
0xc1: {  	[dreg:$0x0] =	wrdreg $0xFFFFFFFF;
	(pc) =	sbr.abs _section_cstart, $3  }
0xc2: {  	[dreg:$0x1] =	wrdreg $0xFFFFFFFF  }
0xc3: {  	_ =	task.clear_ibuf [dreg:s8], $0x2FFFF;
	_ =	strace $0x9FFFFFFF  }
0xc4: {  	(tm) =	ssettm $0x7FFFFFFF  }
0xc5: {  	_ =	shalt  }
tec
execute0_lowered:
.L_overlay_start_1:
0x0: {  	(tag) =	ssettag $0x1  }
0x1: {  	s7 =	rddreg [dreg:$0x0]  }
0x2: {  	s1 =	rddreg [dreg:$0x1]  }
0x3: {  	s4 =	rddreg [dreg:$0x2]  }
0x4: {  	s0 =	rddreg [dreg:$0x3]  }
0x5: {  	s3 =	simm.s32 $0x0;
	s5 =	srdreg.scid;
	s2 =	stileid.u32  }
0x6: {  	s14 =	simm.s32 $0x3;
	s15 =	simm.s32 $0x2000;
	s16 =	simm.s32 $0x4000  }
0x7: {  	s17 =	simm.s32 $0x6000;
	s18 =	simm.s32 $0x1;
	s19 =	simm.s32 $0xA000  }
0x8: {  	s20 =	simm.s32 $0xC000;
	s21 =	simm.s32 $0xE000;
	s22 =	simm.s32 $0x2  }
0x9: {  	s23 =	simm.s32 $0x0;
	[smem:$0x7FF] =	sst s3;
	s5 =	sand.u32 $0x1, s5  }
0xa: {  	s8 =	sshll.u32 s2, $0xD;
	s6 =	ssub.s32 $0x2, s5;
	s5 =	sshll.u32 s5, $0xC  }
0xb: {  	s11 =	sadd.s32 $0x1000, s4;
	s31 =	sshrl.u32 s6, $0x1;
	s8 =	sor.u32 s5, s8  }
0xc: {  	_ =	strace $0x80000047;
	s12 =	ssub.s32 s6, s31;
	s4 =	sadd.s32 s7, s8  }
0xd: {  	s9 =	sor.u32 $0x400, s8;
	s10 =	sor.u32 $0x800, s8;
	s13 =	sor.u32 $0xC00, s8  }
0xe: {  	s8 =	sadd.s32 s11, s8;
	s5 =	sadd.s32 s7, s9;
	s6 =	sadd.s32 s7, s10  }
0xf: {  	s7 =	sadd.s32 s7, s13;
	s9 =	sadd.s32 s11, s9;
	s10 =	sadd.s32 s11, s10  }
0x10: {  	s11 =	sadd.s32 s11, s13;
	s12 =	smax.u32 s12, $0x1;
	s13 =	simm.s32 $0x10000  }
.LBB2_1:
0x11: {  	[tilespmem:s13], [sflag:$0x3] =	stream.linear.gather [hbm4b:s1+s3], $0x400, $0x38;
	[tilespmem:$0x10400] =	vst v63  }
0x12: {  	_ =	swait.ge [sflag:s14], $0x400  }
0x13: {  	[sflag:s14] =	ssyncset.done $0x0  }
0x14: {  	[sflag:s14] =	ssyncadd.s32 $0xFFFFFC00  }
0x15: {  	[tilespmem:s3], [sflag:$0x1] =	stream.linear.gather [hbm4b:s4+s3], $0x2000, $0x38;
	[tilespmem:$0x10400] =	vst v63  }
0x16: {  	_ = 	snop  }
0x17: {  	[tilespmem:s15], [sflag:$0x1] =	stream.linear.gather [hbm4b:s5+s3], $0x2000, $0x38;
	[tilespmem:$0x10400] =	vst v63  }
0x18: {  	_ = 	snop  }
0x19: {  	[tilespmem:s16], [sflag:$0x1] =	stream.linear.gather [hbm4b:s6+s3], $0x2000, $0x38;
	[tilespmem:$0x10400] =	vst v63  }
0x1a: {  	_ = 	snop  }
0x1b: {  	[tilespmem:s17], [sflag:$0x1] =	stream.linear.gather [hbm4b:s7+s3], $0x2000, $0x38;
	[tilespmem:$0x10400] =	vst v63  }
0x1c: {  	_ =	swait.ge [sflag:s18], $0x2000  }
0x1d: {  	s24 =	simm.s32 $0x8040;
	[sflag:s18] =	ssyncset.done $0x0  }
0x1e: {  	s25 =	simm.s32 $0x40;
	s26 =	simm.s32 $0x0;
	[sflag:s18] =	ssyncadd.s32 $0xFFFFE000  }
.LBB2_2:
0x1f: {  	v0 =	vld [tilespmem:s25+$0x30]  }
0x20: {  	v1 =	vld [tilespmem:s25+$0xFFFFFFD0]  }
0x21: {  	v2 =	vld [tilespmem:s25+$0xFFFFFFE0]  }
0x22: {  	v3 =	vld [tilespmem:s25+$0xFFFFFFF0]  }
0x23: {  	v6 =	vld [tilespmem:s25+$0x0]  }
0x24: {  	v7 =	vld [tilespmem:s25+$0x10]  }
0x25: {  	v8 =	vld [tilespmem:s25+$0x20]  }
0x26: {  	v9 =	vld [tilespmem:s25+$0xFFFFFFC0]  }
0x27: {  	v10 =	vld.idx.msk [tilespmem:v0+s13+$0x0], $0xffff  }
0x28: {  	v11 =	vld.idx.msk [tilespmem:v1+s13+$0x0], $0xffff  }
0x29: {  	v5 =	vld.idx.msk [tilespmem:v2+s13+$0x0], $0xffff  }
0x2a: {  	v4 =	vld.idx.msk [tilespmem:v3+s13+$0x0], $0xffff  }
0x2b: {  	v3 =	vld.idx.msk [tilespmem:v6+s13+$0x0], $0xffff  }
0x2c: {  	v1 =	vld.idx.msk [tilespmem:v7+s13+$0x0], $0xffff  }
0x2d: {  	v0 =	vld.idx.msk [tilespmem:v8+s13+$0x0], $0xffff;
	[tilespmem:s24+$0x30] =	vst v10  }
0x2e: {  	s29 =	simm.s32 $0x0;
	s30 =	sadd.s32 $0x400, s25;
	s28 =	smov.u32 s24;
	v2 =	vld.idx.msk [tilespmem:v9+s13+$0x0], $0xffff;
	[tilespmem:s24+$0xFFFFFFD0] =	vst v11  }
.LBB2_3:
0x2f: {  	v6 =	vld [tilespmem:s30+$0x30];
	s29 =	sadd.s32 $0x80, s29;
	[tilespmem:s28+$0xFFFFFFE0] =	vst v5  }
0x30: {  	v5 =	vld [tilespmem:s30+$0xFFFFFFD0];
	p0 =	slt.u32 s29, $0x380;
	[tilespmem:s28+$0xFFFFFFF0] =	vst v4  }
0x31: {  	v4 =	vld [tilespmem:s30+$0xFFFFFFE0];
	[tilespmem:s28+$0x0] =	vst v3  }
0x32: {  	v3 =	vld [tilespmem:s30+$0xFFFFFFF0];
	[tilespmem:s28+$0x10] =	vst v1  }
0x33: {  	v1 =	vld [tilespmem:s30+$0x0];
	[tilespmem:s28+$0x20] =	vst v0  }
0x34: {  	v0 =	vld [tilespmem:s30+$0x10];
	[tilespmem:s28+$0xFFFFFFC0] =	vst v2  }
0x35: {  	v2 =	vld [tilespmem:s30+$0x20]  }
0x36: {  	v7 =	vld [tilespmem:s30+$0xFFFFFFC0]  }
0x37: {  	v6 =	vld.idx.msk [tilespmem:v6+s13+$0x0], $0xffff  }
0x38: {  	v8 =	vld.idx.msk [tilespmem:v5+s13+$0x0], $0xffff  }
0x39: {  	v5 =	vld.idx.msk [tilespmem:v4+s13+$0x0], $0xffff  }
.Ltmp0:
0x3a: {  	v4 =	vld.idx.msk [tilespmem:v3+s13+$0x0], $0xffff;
	(pc) =	sbr.rel @p0 .LBB2_3-.Ltmp0, $4  }
0x3b: {  	v3 =	vld.idx.msk [tilespmem:v1+s13+$0x0], $0xffff  }
0x3c: {  	s28 =	sadd.s32 $0x400, s28;
	v1 =	vld.idx.msk [tilespmem:v0+s13+$0x0], $0xffff  }
0x3d: {  	v0 =	vld.idx.msk [tilespmem:v2+s13+$0x0], $0xffff;
	[tilespmem:s28+$0x30] =	vst v6  }
0x3e: {  	s30 =	sadd.s32 $0x400, s30;
	v2 =	vld.idx.msk [tilespmem:v7+s13+$0x0], $0xffff;
	[tilespmem:s28+$0xFFFFFFD0] =	vst v8  }
0x3f: {  	s26 =	sadd.s32 $0x1, s26  }
0x40: {  	[tilespmem:s28+$0xFFFFFFE0] =	vst v5;
	p0 =	sne.s32 s26, $0x8  }
.Ltmp1:
0x41: {  	[tilespmem:s28+$0xFFFFFFF0] =	vst v4;
	(pc) =	sbr.rel @p0 .LBB2_2-.Ltmp1, $4  }
0x42: {  	[tilespmem:s28+$0x0] =	vst v3  }
0x43: {  	[tilespmem:s28+$0x10] =	vst v1  }
0x44: {  	[tilespmem:s28+$0x20] =	vst v0  }
0x45: {  	s24 =	sadd.s32 $0x80, s24;
	s25 =	sadd.s32 $0x80, s25;
	[tilespmem:s28+$0xFFFFFFC0] =	vst v2  }
0x46: {  	s24 =	simm.s32 $0x0;
	s25 =	simm.s32 $0x8000  }
0x47: {  	[hbm4b:s8+s24] =	stream.linear.scatter [tilespmem:s25], [sflag:$0x2], $0x2000, $0x38;
	[tilespmem:$0x10400] =	vst v63  }
0x48: {  	_ =	swait.ge [sflag:s18], $0x2000  }
0x49: {  	[sflag:s18] =	ssyncset.done $0x0  }
0x4a: {  	s26 =	simm.s32 $0x8;
	s28 =	simm.s32 $0x2000;
	[sflag:s18] =	ssyncadd.s32 $0xFFFFE000  }
.LBB2_6:
0x4b: {  	s29 =	sshll.u32 s28, $0x2  }
0x4c: {  	s29 =	sand.u32 $0xFFFF8000, s29  }
0x4d: {  	s29 =	sshra.s32 s29, $0x2  }
0x4e: {  	v0 =	vmov s29;
	_ =	sdelay $0x4  }
0x4f: {  	v1 =	vld.idx.msk [tilespmem:v0+s24+$0x70 ss:$0x1], $0xffff  }
0x50: {  	v2 =	vld.idx.msk [tilespmem:v0+s24+$0x10 ss:$0x1], $0xffff  }
0x51: {  	v3 =	vld.idx.msk [tilespmem:v0+s24+$0x20 ss:$0x1], $0xffff  }
0x52: {  	v4 =	vld.idx.msk [tilespmem:v0+s24+$0x30 ss:$0x1], $0xffff  }
0x53: {  	v7 =	vld.idx.msk [tilespmem:v0+s24+$0x40 ss:$0x1], $0xffff  }
0x54: {  	v8 =	vld.idx.msk [tilespmem:v0+s24+$0x50 ss:$0x1], $0xffff  }
0x55: {  	v9 =	vld.idx.msk [tilespmem:v0+s24+$0x60 ss:$0x1], $0xffff  }
0x56: {  	v10 =	vld.idx.msk [tilespmem:v0+s24+$0x0 ss:$0x1], $0xffff  }
0x57: {  	v11 =	vld.idx.msk [tilespmem:v1+s13+$0x0], $0xffff  }
0x58: {  	v12 =	vld.idx.msk [tilespmem:v2+s13+$0x0], $0xffff  }
0x59: {  	v6 =	vld.idx.msk [tilespmem:v3+s13+$0x0], $0xffff  }
0x5a: {  	v5 =	vld.idx.msk [tilespmem:v4+s13+$0x0], $0xffff  }
0x5b: {  	v4 =	vld.idx.msk [tilespmem:v7+s13+$0x0], $0xffff  }
0x5c: {  	v2 =	vld.idx.msk [tilespmem:v8+s13+$0x0], $0xffff  }
0x5d: {  	v1 =	vld.idx.msk [tilespmem:v9+s13+$0x0], $0xffff;
	[tilespmem:v0+s25+$0x70 ss:$0x1] =	vst.idx.msk $0xffff, v11  }
0x5e: {  	s30 =	simm.s32 $0x0;
	s31 =	sadd.s32 $0x400, s24;
	s29 =	smov.u32 s25;
	v3 =	vld.idx.msk [tilespmem:v10+s13+$0x0], $0xffff;
	[tilespmem:v0+s25+$0x10 ss:$0x1] =	vst.idx.msk $0xffff, v12  }
.LBB2_7:
0x5f: {  	v7 =	vld.idx.msk [tilespmem:v0+s31+$0x70 ss:$0x1], $0xffff;
	s30 =	sadd.s32 $0x80, s30;
	[tilespmem:v0+s29+$0x20 ss:$0x1] =	vst.idx.msk $0xffff, v6  }
0x60: {  	v6 =	vld.idx.msk [tilespmem:v0+s31+$0x10 ss:$0x1], $0xffff;
	p0 =	slt.u32 s30, $0x380;
	[tilespmem:v0+s29+$0x30 ss:$0x1] =	vst.idx.msk $0xffff, v5  }
0x61: {  	v5 =	vld.idx.msk [tilespmem:v0+s31+$0x20 ss:$0x1], $0xffff;
	[tilespmem:v0+s29+$0x40 ss:$0x1] =	vst.idx.msk $0xffff, v4  }
0x62: {  	v4 =	vld.idx.msk [tilespmem:v0+s31+$0x30 ss:$0x1], $0xffff;
	[tilespmem:v0+s29+$0x50 ss:$0x1] =	vst.idx.msk $0xffff, v2  }
0x63: {  	v2 =	vld.idx.msk [tilespmem:v0+s31+$0x40 ss:$0x1], $0xffff;
	[tilespmem:v0+s29+$0x60 ss:$0x1] =	vst.idx.msk $0xffff, v1  }
0x64: {  	v1 =	vld.idx.msk [tilespmem:v0+s31+$0x50 ss:$0x1], $0xffff;
	[tilespmem:v0+s29+$0x0 ss:$0x1] =	vst.idx.msk $0xffff, v3  }
0x65: {  	v3 =	vld.idx.msk [tilespmem:v0+s31+$0x60 ss:$0x1], $0xffff  }
0x66: {  	v8 =	vld.idx.msk [tilespmem:v0+s31+$0x0 ss:$0x1], $0xffff  }
0x67: {  	v7 =	vld.idx.msk [tilespmem:v7+s13+$0x0], $0xffff  }
0x68: {  	v9 =	vld.idx.msk [tilespmem:v6+s13+$0x0], $0xffff  }
0x69: {  	v6 =	vld.idx.msk [tilespmem:v5+s13+$0x0], $0xffff  }
.Ltmp2:
0x6a: {  	v5 =	vld.idx.msk [tilespmem:v4+s13+$0x0], $0xffff;
	(pc) =	sbr.rel @p0 .LBB2_7-.Ltmp2, $4  }
0x6b: {  	v4 =	vld.idx.msk [tilespmem:v2+s13+$0x0], $0xffff  }
0x6c: {  	s29 =	sadd.s32 $0x400, s29;
	v2 =	vld.idx.msk [tilespmem:v1+s13+$0x0], $0xffff  }
0x6d: {  	v1 =	vld.idx.msk [tilespmem:v3+s13+$0x0], $0xffff;
	[tilespmem:v0+s29+$0x70 ss:$0x1] =	vst.idx.msk $0xffff, v7  }
0x6e: {  	s31 =	sadd.s32 $0x400, s31;
	v3 =	vld.idx.msk [tilespmem:v8+s13+$0x0], $0xffff;
	[tilespmem:v0+s29+$0x10 ss:$0x1] =	vst.idx.msk $0xffff, v9  }
0x6f: {  	_ =	sdelay $0x2  }
0x70: {  	s26 =	sadd.s32 $0x1, s26  }
0x71: {  	[tilespmem:v0+s29+$0x20 ss:$0x1] =	vst.idx.msk $0xffff, v6;
	p0 =	sne.s32 s26, $0x10  }
.Ltmp3:
0x72: {  	[tilespmem:v0+s29+$0x30 ss:$0x1] =	vst.idx.msk $0xffff, v5;
	(pc) =	sbr.rel @p0 .LBB2_6-.Ltmp3, $4  }
0x73: {  	[tilespmem:v0+s29+$0x40 ss:$0x1] =	vst.idx.msk $0xffff, v4  }
0x74: {  	[tilespmem:v0+s29+$0x50 ss:$0x1] =	vst.idx.msk $0xffff, v2  }
0x75: {  	[tilespmem:v0+s29+$0x60 ss:$0x1] =	vst.idx.msk $0xffff, v1  }
0x76: {  	s28 =	sadd.s32 $0x400, s28;
	s25 =	sadd.s32 $0x80, s25;
	s24 =	sadd.s32 $0x80, s24;
	[tilespmem:v0+s29+$0x0 ss:$0x1] =	vst.idx.msk $0xffff, v3  }
0x77: {  	s24 =	simm.s32 $0x0  }
0x78: {  	[hbm4b:s9+s24] =	stream.linear.scatter [tilespmem:s19], [sflag:$0x2], $0x2000, $0x38;
	[tilespmem:$0x10400] =	vst v63  }
0x79: {  	_ =	swait.ge [sflag:s18], $0x2000  }
0x7a: {  	s25 =	simm.s32 $0x10;
	[sflag:s18] =	ssyncset.done $0x0  }
0x7b: {  	s26 =	simm.s32 $0x4000;
	s28 =	simm.s32 $0x8000;
	[sflag:s18] =	ssyncadd.s32 $0xFFFFE000  }
.LBB2_10:
0x7c: {  	s29 =	sshll.u32 s26, $0x2  }
0x7d: {  	s29 =	sand.u32 $0xFFFF8000, s29  }
0x7e: {  	s29 =	sshra.s32 s29, $0x2  }
0x7f: {  	v0 =	vmov s29;
	_ =	sdelay $0x4  }
0x80: {  	v1 =	vld.idx.msk [tilespmem:v0+s24+$0x70 ss:$0x1], $0xffff  }
0x81: {  	v2 =	vld.idx.msk [tilespmem:v0+s24+$0x10 ss:$0x1], $0xffff  }
0x82: {  	v3 =	vld.idx.msk [tilespmem:v0+s24+$0x20 ss:$0x1], $0xffff  }
0x83: {  	v4 =	vld.idx.msk [tilespmem:v0+s24+$0x30 ss:$0x1], $0xffff  }
0x84: {  	v7 =	vld.idx.msk [tilespmem:v0+s24+$0x40 ss:$0x1], $0xffff  }
0x85: {  	v8 =	vld.idx.msk [tilespmem:v0+s24+$0x50 ss:$0x1], $0xffff  }
0x86: {  	v9 =	vld.idx.msk [tilespmem:v0+s24+$0x60 ss:$0x1], $0xffff  }
0x87: {  	v10 =	vld.idx.msk [tilespmem:v0+s24+$0x0 ss:$0x1], $0xffff  }
0x88: {  	v11 =	vld.idx.msk [tilespmem:v1+s13+$0x0], $0xffff  }
0x89: {  	v12 =	vld.idx.msk [tilespmem:v2+s13+$0x0], $0xffff  }
0x8a: {  	v6 =	vld.idx.msk [tilespmem:v3+s13+$0x0], $0xffff  }
0x8b: {  	v5 =	vld.idx.msk [tilespmem:v4+s13+$0x0], $0xffff  }
0x8c: {  	v4 =	vld.idx.msk [tilespmem:v7+s13+$0x0], $0xffff  }
0x8d: {  	v2 =	vld.idx.msk [tilespmem:v8+s13+$0x0], $0xffff  }
0x8e: {  	v1 =	vld.idx.msk [tilespmem:v9+s13+$0x0], $0xffff;
	[tilespmem:v0+s28+$0x70 ss:$0x1] =	vst.idx.msk $0xffff, v11  }
0x8f: {  	s30 =	simm.s32 $0x0;
	s31 =	sadd.s32 $0x400, s24;
	s29 =	smov.u32 s28;
	v3 =	vld.idx.msk [tilespmem:v10+s13+$0x0], $0xffff;
	[tilespmem:v0+s28+$0x10 ss:$0x1] =	vst.idx.msk $0xffff, v12  }
.LBB2_11:
0x90: {  	v7 =	vld.idx.msk [tilespmem:v0+s31+$0x70 ss:$0x1], $0xffff;
	s30 =	sadd.s32 $0x80, s30;
	[tilespmem:v0+s29+$0x20 ss:$0x1] =	vst.idx.msk $0xffff, v6  }
0x91: {  	v6 =	vld.idx.msk [tilespmem:v0+s31+$0x10 ss:$0x1], $0xffff;
	p0 =	slt.u32 s30, $0x380;
	[tilespmem:v0+s29+$0x30 ss:$0x1] =	vst.idx.msk $0xffff, v5  }
0x92: {  	v5 =	vld.idx.msk [tilespmem:v0+s31+$0x20 ss:$0x1], $0xffff;
	[tilespmem:v0+s29+$0x40 ss:$0x1] =	vst.idx.msk $0xffff, v4  }
0x93: {  	v4 =	vld.idx.msk [tilespmem:v0+s31+$0x30 ss:$0x1], $0xffff;
	[tilespmem:v0+s29+$0x50 ss:$0x1] =	vst.idx.msk $0xffff, v2  }
0x94: {  	v2 =	vld.idx.msk [tilespmem:v0+s31+$0x40 ss:$0x1], $0xffff;
	[tilespmem:v0+s29+$0x60 ss:$0x1] =	vst.idx.msk $0xffff, v1  }
0x95: {  	v1 =	vld.idx.msk [tilespmem:v0+s31+$0x50 ss:$0x1], $0xffff;
	[tilespmem:v0+s29+$0x0 ss:$0x1] =	vst.idx.msk $0xffff, v3  }
0x96: {  	v3 =	vld.idx.msk [tilespmem:v0+s31+$0x60 ss:$0x1], $0xffff  }
0x97: {  	v8 =	vld.idx.msk [tilespmem:v0+s31+$0x0 ss:$0x1], $0xffff  }
0x98: {  	v7 =	vld.idx.msk [tilespmem:v7+s13+$0x0], $0xffff  }
0x99: {  	v9 =	vld.idx.msk [tilespmem:v6+s13+$0x0], $0xffff  }
0x9a: {  	v6 =	vld.idx.msk [tilespmem:v5+s13+$0x0], $0xffff  }
.Ltmp4:
0x9b: {  	v5 =	vld.idx.msk [tilespmem:v4+s13+$0x0], $0xffff;
	(pc) =	sbr.rel @p0 .LBB2_11-.Ltmp4, $4  }
0x9c: {  	v4 =	vld.idx.msk [tilespmem:v2+s13+$0x0], $0xffff  }
0x9d: {  	s29 =	sadd.s32 $0x400, s29;
	v2 =	vld.idx.msk [tilespmem:v1+s13+$0x0], $0xffff  }
0x9e: {  	v1 =	vld.idx.msk [tilespmem:v3+s13+$0x0], $0xffff;
	[tilespmem:v0+s29+$0x70 ss:$0x1] =	vst.idx.msk $0xffff, v7  }
0x9f: {  	s31 =	sadd.s32 $0x400, s31;
	v3 =	vld.idx.msk [tilespmem:v8+s13+$0x0], $0xffff;
	[tilespmem:v0+s29+$0x10 ss:$0x1] =	vst.idx.msk $0xffff, v9  }
0xa0: {  	_ =	sdelay $0x2  }
0xa1: {  	s25 =	sadd.s32 $0x1, s25  }
0xa2: {  	[tilespmem:v0+s29+$0x20 ss:$0x1] =	vst.idx.msk $0xffff, v6;
	p0 =	sne.s32 s25, $0x18  }
.Ltmp5:
0xa3: {  	[tilespmem:v0+s29+$0x30 ss:$0x1] =	vst.idx.msk $0xffff, v5;
	(pc) =	sbr.rel @p0 .LBB2_10-.Ltmp5, $4  }
0xa4: {  	[tilespmem:v0+s29+$0x40 ss:$0x1] =	vst.idx.msk $0xffff, v4  }
0xa5: {  	[tilespmem:v0+s29+$0x50 ss:$0x1] =	vst.idx.msk $0xffff, v2  }
0xa6: {  	[tilespmem:v0+s29+$0x60 ss:$0x1] =	vst.idx.msk $0xffff, v1  }
0xa7: {  	s26 =	sadd.s32 $0x400, s26;
	s28 =	sadd.s32 $0x80, s28;
	s24 =	sadd.s32 $0x80, s24;
	[tilespmem:v0+s29+$0x0 ss:$0x1] =	vst.idx.msk $0xffff, v3  }
0xa8: {  	s24 =	simm.s32 $0x0  }
0xa9: {  	[hbm4b:s10+s24] =	stream.linear.scatter [tilespmem:s20], [sflag:$0x2], $0x2000, $0x38;
	[tilespmem:$0x10400] =	vst v63  }
0xaa: {  	_ =	swait.ge [sflag:s18], $0x2000  }
0xab: {  	s25 =	simm.s32 $0x18;
	[sflag:s18] =	ssyncset.done $0x0  }
0xac: {  	s26 =	simm.s32 $0x6000;
	s28 =	simm.s32 $0x8000;
	[sflag:s18] =	ssyncadd.s32 $0xFFFFE000  }
.LBB2_14:
0xad: {  	s29 =	sshll.u32 s26, $0x2  }
0xae: {  	s29 =	sand.u32 $0xFFFF8000, s29  }
0xaf: {  	s29 =	sshra.s32 s29, $0x2  }
0xb0: {  	v0 =	vmov s29;
	_ =	sdelay $0x4  }
0xb1: {  	v1 =	vld.idx.msk [tilespmem:v0+s24+$0x70 ss:$0x1], $0xffff  }
0xb2: {  	v2 =	vld.idx.msk [tilespmem:v0+s24+$0x10 ss:$0x1], $0xffff  }
0xb3: {  	v3 =	vld.idx.msk [tilespmem:v0+s24+$0x20 ss:$0x1], $0xffff  }
0xb4: {  	v4 =	vld.idx.msk [tilespmem:v0+s24+$0x30 ss:$0x1], $0xffff  }
0xb5: {  	v7 =	vld.idx.msk [tilespmem:v0+s24+$0x40 ss:$0x1], $0xffff  }
0xb6: {  	v8 =	vld.idx.msk [tilespmem:v0+s24+$0x50 ss:$0x1], $0xffff  }
0xb7: {  	v9 =	vld.idx.msk [tilespmem:v0+s24+$0x60 ss:$0x1], $0xffff  }
0xb8: {  	v10 =	vld.idx.msk [tilespmem:v0+s24+$0x0 ss:$0x1], $0xffff  }
0xb9: {  	v11 =	vld.idx.msk [tilespmem:v1+s13+$0x0], $0xffff  }
0xba: {  	v12 =	vld.idx.msk [tilespmem:v2+s13+$0x0], $0xffff  }
0xbb: {  	v6 =	vld.idx.msk [tilespmem:v3+s13+$0x0], $0xffff  }
0xbc: {  	v5 =	vld.idx.msk [tilespmem:v4+s13+$0x0], $0xffff  }
0xbd: {  	v4 =	vld.idx.msk [tilespmem:v7+s13+$0x0], $0xffff  }
0xbe: {  	v2 =	vld.idx.msk [tilespmem:v8+s13+$0x0], $0xffff  }
0xbf: {  	v1 =	vld.idx.msk [tilespmem:v9+s13+$0x0], $0xffff;
	[tilespmem:v0+s28+$0x70 ss:$0x1] =	vst.idx.msk $0xffff, v11  }
0xc0: {  	s30 =	simm.s32 $0x0;
	s31 =	sadd.s32 $0x400, s24;
	s29 =	smov.u32 s28;
	v3 =	vld.idx.msk [tilespmem:v10+s13+$0x0], $0xffff;
	[tilespmem:v0+s28+$0x10 ss:$0x1] =	vst.idx.msk $0xffff, v12  }
.LBB2_15:
0xc1: {  	v7 =	vld.idx.msk [tilespmem:v0+s31+$0x70 ss:$0x1], $0xffff;
	s30 =	sadd.s32 $0x80, s30;
	[tilespmem:v0+s29+$0x20 ss:$0x1] =	vst.idx.msk $0xffff, v6  }
0xc2: {  	v6 =	vld.idx.msk [tilespmem:v0+s31+$0x10 ss:$0x1], $0xffff;
	p0 =	slt.u32 s30, $0x380;
	[tilespmem:v0+s29+$0x30 ss:$0x1] =	vst.idx.msk $0xffff, v5  }
0xc3: {  	v5 =	vld.idx.msk [tilespmem:v0+s31+$0x20 ss:$0x1], $0xffff;
	[tilespmem:v0+s29+$0x40 ss:$0x1] =	vst.idx.msk $0xffff, v4  }
0xc4: {  	v4 =	vld.idx.msk [tilespmem:v0+s31+$0x30 ss:$0x1], $0xffff;
	[tilespmem:v0+s29+$0x50 ss:$0x1] =	vst.idx.msk $0xffff, v2  }
0xc5: {  	v2 =	vld.idx.msk [tilespmem:v0+s31+$0x40 ss:$0x1], $0xffff;
	[tilespmem:v0+s29+$0x60 ss:$0x1] =	vst.idx.msk $0xffff, v1  }
0xc6: {  	v1 =	vld.idx.msk [tilespmem:v0+s31+$0x50 ss:$0x1], $0xffff;
	[tilespmem:v0+s29+$0x0 ss:$0x1] =	vst.idx.msk $0xffff, v3  }
0xc7: {  	v3 =	vld.idx.msk [tilespmem:v0+s31+$0x60 ss:$0x1], $0xffff  }
0xc8: {  	v8 =	vld.idx.msk [tilespmem:v0+s31+$0x0 ss:$0x1], $0xffff  }
0xc9: {  	v7 =	vld.idx.msk [tilespmem:v7+s13+$0x0], $0xffff  }
0xca: {  	v9 =	vld.idx.msk [tilespmem:v6+s13+$0x0], $0xffff  }
0xcb: {  	v6 =	vld.idx.msk [tilespmem:v5+s13+$0x0], $0xffff  }
.Ltmp6:
0xcc: {  	v5 =	vld.idx.msk [tilespmem:v4+s13+$0x0], $0xffff;
	(pc) =	sbr.rel @p0 .LBB2_15-.Ltmp6, $4  }
0xcd: {  	v4 =	vld.idx.msk [tilespmem:v2+s13+$0x0], $0xffff  }
0xce: {  	s29 =	sadd.s32 $0x400, s29;
	v2 =	vld.idx.msk [tilespmem:v1+s13+$0x0], $0xffff  }
0xcf: {  	v1 =	vld.idx.msk [tilespmem:v3+s13+$0x0], $0xffff;
	[tilespmem:v0+s29+$0x70 ss:$0x1] =	vst.idx.msk $0xffff, v7  }
0xd0: {  	s31 =	sadd.s32 $0x400, s31;
	v3 =	vld.idx.msk [tilespmem:v8+s13+$0x0], $0xffff;
	[tilespmem:v0+s29+$0x10 ss:$0x1] =	vst.idx.msk $0xffff, v9  }
0xd1: {  	_ =	sdelay $0x2  }
0xd2: {  	s25 =	sadd.s32 $0x1, s25  }
0xd3: {  	[tilespmem:v0+s29+$0x20 ss:$0x1] =	vst.idx.msk $0xffff, v6;
	p0 =	sne.s32 s25, $0x20  }
.Ltmp7:
0xd4: {  	[tilespmem:v0+s29+$0x30 ss:$0x1] =	vst.idx.msk $0xffff, v5;
	(pc) =	sbr.rel @p0 .LBB2_14-.Ltmp7, $4  }
0xd5: {  	[tilespmem:v0+s29+$0x40 ss:$0x1] =	vst.idx.msk $0xffff, v4  }
0xd6: {  	[tilespmem:v0+s29+$0x50 ss:$0x1] =	vst.idx.msk $0xffff, v2  }
0xd7: {  	[tilespmem:v0+s29+$0x60 ss:$0x1] =	vst.idx.msk $0xffff, v1  }
0xd8: {  	s26 =	sadd.s32 $0x400, s26;
	s28 =	sadd.s32 $0x80, s28;
	s24 =	sadd.s32 $0x80, s24;
	[tilespmem:v0+s29+$0x0 ss:$0x1] =	vst.idx.msk $0xffff, v3  }
0xd9: {  	[hbm4b:s11+s3] =	stream.linear.scatter [tilespmem:s21], [sflag:$0x2], $0x2000, $0x38;
	[tilespmem:$0x10400] =	vst v63  }
0xda: {  	_ =	swait.ge [sflag:s22], $0x2000  }
0xdb: {  	[sflag:s22] =	ssyncset.done $0x0  }
0xdc: {  	[sflag:s22] =	ssyncadd.s32 $0xFFFFE000  }
0xdd: {  	_ =	swait.ge [sflag:s22], $0x2000  }
0xde: {  	[sflag:s22] =	ssyncset.done $0x0  }
0xdf: {  	s23 =	sadd.s32 $0x1, s23;
	[sflag:s22] =	ssyncadd.s32 $0xFFFFE000  }
0xe0: {  	p0 =	sne.s32 s23, s12;
	_ =	swait.ge [sflag:s22], $0x2000  }
.Ltmp8:
0xe1: {  	[sflag:s22] =	ssyncset.done $0x0;
	(pc) =	sbr.rel @p0 .LBB2_1-.Ltmp8, $4  }
0xe2: {  	[sflag:s22] =	ssyncadd.s32 $0xFFFFE000  }
0xe3: {  	_ =	swait.ge [sflag:s22], $0x2000  }
0xe4: {  	[sflag:s22] =	ssyncset.done $0x0  }
0xe5: {  	[sflag:s22] =	ssyncadd.s32 $0xFFFFE000  }
0xe6: {  	_ =	sfence.sel $0x180000  }
0xe7: {  	[bflag:$0x0] =	sbarrier.arrive $0xFFFF  }
0xe8: {  	p0 =	sne.s32 s2, $0x0;
	_ =	strace $0x90000047  }
0xe9: {  	s0 =	sadd.s32 @!p0 $0x100000, s0;
	[bflag:$0x2] =	sbarrier.arrive $0xFFFF  }
0xea: {  	[sflag:s0] =	ssyncadd.tile.s32 @!p0 $0x1;
	_ =	shalt  }
.Lfunc_end2:
_tile_overlayer_lowered:
.L_overlay_start_2:
0xeb: {  	(tag) =	ssettag $0x2  }
0xec: {  	s0 =	rddreg [dreg:$0x0];
	s2 =	stileid.u32  }
0xed: {  	s1 =	rddreg [dreg:$0x1];
	p0 =	sne.s32 s2, $0x0  }
0xee: {  	s3 =	rddreg [dreg:$0x2];
	[bflag:$0x3] =	sbarrier.arrive $0xFFFF;
	s2 =	simm.s32 @!p0 $0x1C03  }
0xef: {  	[timem:s3], [sflag:s2] =	dma.local @!p0 [hbm:s0], s1  }
0xf0: {  	s0 =	simm.s32 @!p0 $0x3  }
0xf1: {  	_ =	swait.ge @!p0 [sflag:s0], s1  }
0xf2: {  	s1 =	ssub.s32 @!p0 $0x0, s1;
	[sflag:s0] =	ssyncset.done @!p0 $0x0  }
0xf3: {  	[sflag:s0] =	ssyncadd.s32 @!p0 s1  }
0xf4: {  	[bflag:$0x3] =	sbarrier.arrive $0xFFFF  }
0xf5: {  	_ =	shalt  }

</sc_bundles>
